<compile_context>
chip_gen: v7x
topology: tpu7x:2x2x1
jax: 0.10.2.dev20260603
libtpu: 0.0.44.dev20260713+nightly
codegen_flags: <defaults>
</compile_context>

<pallas_src>
import functools

import jax
import jax.numpy as jnp
from jax import lax
from jax.experimental import pallas as pl
from jax.experimental.pallas import tpu as pltpu
from jax.experimental.pallas import tpu_sc as plsc

_MAX_LENGTH = 200


def _sc_broadcast(table, batch, seq, nrows, dim):
    vp, lanes = table.shape
    seq_pad = (seq + 15) // 16 * 16
    sd = seq * dim
    mesh = plsc.VectorSubcoreMesh(core_axis_name="c", subcore_axis_name="s")
    nw = 32
    rows_per_w = batch // nw
    tile_rows = 4
    ndma = rows_per_w // tile_rows

    @functools.partial(
        pl.kernel, mesh=mesh,
        out_type=jax.ShapeDtypeStruct((batch, sd), jnp.float32),
        scratch_types=[
            pltpu.VMEM((seq_pad,), jnp.int32),
            pltpu.VMEM((seq_pad, lanes), jnp.float32),
            pltpu.VMEM((tile_rows, sd), jnp.float32),
            pltpu.SemaphoreType.DMA,
            pltpu.SemaphoreType.DMA,
        ],
    )
    def k(table_hbm, out_hbm, idx_v, rows_v, tile_v, gsem, wsem):
        wid = lax.axis_index("s") * 2 + lax.axis_index("c")

        for i in range(seq_pad // 16):
            base = lax.iota(jnp.int32, 16) + (i * 16)
            pos = jnp.minimum(jnp.maximum(base, _MAX_LENGTH), nrows - 1)
            idx_v[pl.ds(i * 16, 16)] = pos

        pltpu.async_copy(table_hbm.at[idx_v], rows_v, gsem).wait()

        def _pack(s, carry):
            for c in range(dim // 16):
                v = rows_v[s, pl.ds(c * 16, 16)]
                for j in range(tile_rows):
                    tile_v[j, pl.ds(s * dim + c * 16, 16)] = v
            return carry

        lax.fori_loop(0, seq, _pack, 0)

        base_row = wid * rows_per_w
        copies = [
            pltpu.make_async_copy(
                tile_v,
                out_hbm.at[pl.ds(base_row + j * tile_rows, tile_rows)],
                wsem)
            for j in range(ndma)
        ]
        for cp in copies:
            cp.start()
        for cp in copies:
            cp.wait()

    return k(table)


def kernel(inputs, kernel):
    batch, seq = inputs.shape
    nrows, dim = kernel.shape
    vp = (nrows + 7) // 8 * 8
    lanes = max(dim, 128)
    table = jnp.zeros((vp, lanes), kernel.dtype).at[:nrows, :dim].set(kernel)

    out = _sc_broadcast(table, batch, seq, nrows, dim)
    return out.reshape(batch, seq, dim)

# --- scband reference (transcript-rebuilt; emitter-appended) ---
"""Pipeline reference for scband-position-embedding-18305150615626 (READ-ONLY COPY).

The authoritative reference and input builder live on the scoring server;
editing this copy changes nothing except your own understanding.
"""

import jax, jax.numpy as jnp
import numpy as np

MAX_LENGTH = 200
DIM = 64
BATCH = 4096
SEQ = 200

def setup_inputs(seed: int = 0) -> dict:
    key = jax.random.key(seed)
    k1, k2 = jax.random.split(key)
    inputs = jax.random.normal(k1, (BATCH, SEQ), dtype=jnp.float32)
    # glorot_uniform init for kernel of shape (max_length + 1, dim)
    fan_in, fan_out = MAX_LENGTH + 1, DIM
    limit = float(np.sqrt(6.0 / (fan_in + fan_out)))
    kernel = jax.random.uniform(k2, (MAX_LENGTH + 1, DIM), dtype=jnp.float32, minval=-limit, maxval=limit)
    return {"inputs": inputs, "kernel": kernel}

def reference(inputs, kernel):
    # Faithful translation of PositionEmbedding.call
    x = inputs
    while x.ndim > 2:
        x = x[..., 0]
    positions = jnp.cumsum(jnp.ones_like(x, dtype=jnp.int32), axis=-1) - 1
    # NOTE: original keras code uses kb.maximum (likely a bug vs minimum); kept faithful.
    positions = jnp.maximum(positions, MAX_LENGTH)
    answer = jnp.take(kernel, positions, axis=0)
    return answer

if __name__ == "__main__":
    import jax
    _d = setup_inputs()
    print(jax.jit(kernel)(*tuple(_d.values())))

</pallas_src>

<mosaic_0001>
#map = affine_map<(d0, d1) -> (0, 0)>
module attributes {stable_mosaic.version = 14 : i64} {
  func.func @k(%arg0: i32, %arg1: i32, %arg2: memref<208x128xf32, #tpu.memory_space<hbm>>, %arg3: memref<4096x12800xf32, #tpu.memory_space<hbm>>, %arg4: memref<208xi32, #tpu.memory_space<vmem>>, %arg5: memref<208x128xf32, #tpu.memory_space<vmem>>, %arg6: memref<4x12800xf32, #tpu.memory_space<vmem>>, %arg7: memref<!tpu.dma_semaphore, #tpu.memory_space<semaphore_mem>>, %arg8: memref<!tpu.dma_semaphore, #tpu.memory_space<semaphore_mem>>) attributes {dimension_semantics = [#tpu.dimension_semantics<core_parallel>, #tpu.dimension_semantics<subcore_parallel>], iteration_bounds = array<i64: 2, 16>, scalar_prefetch = 0 : i64, scratch_operands = 5 : i64, tpu.core_type = #tpu.core_type<sc_vector_subcore>, window_params = [{transform_indices = #map}, {transform_indices = #map}]} {
    %mul3A = arith.constant 2 : i32
    %mul3A_0 = arith.muli %arg1, %mul3A : i32
    %add3A = arith.addi %mul3A_0, %arg0 : i32
    %iota3A = tpu.iota {dimensions = array<i32: 0>} : vector<16xi32>
    %add3A_1 = arith.constant 0 : i32
    %add3A_2 = vector.broadcast %add3A_1 : i32 to vector<16xi32>
    %add3A_3 = arith.addi %iota3A, %add3A_2 : vector<16xi32>
    %max3A = arith.constant 200 : i32
    %max3A_4 = vector.broadcast %max3A : i32 to vector<16xi32>
    %max3A_5 = arith.maxsi %add3A_3, %max3A_4 : vector<16xi32>
    %min3A = arith.constant 200 : i32
    %min3A_6 = vector.broadcast %min3A : i32 to vector<16xi32>
    %min3A_7 = arith.minsi %max3A_5, %min3A_6 : vector<16xi32>
    %swap3A = arith.constant 0 : index
    %swap3A_8 = tpu.vector_load %arg4[%swap3A] {strides = array<i32>} : memref<208xi32, #tpu.memory_space<vmem>>, vector<16xi32>,
    %swap3A_9 = vector.shape_cast %swap3A_8 : vector<16xi32> to vector<16xi32>
    %swap3A_10 = vector.shape_cast %min3A_7 : vector<16xi32> to vector<16xi32>
    tpu.vector_store %arg4[%swap3A], %swap3A_10 {strides = array<i32>} : memref<208xi32, #tpu.memory_space<vmem>>, vector<16xi32>,
    %iota3A_11 = tpu.iota {dimensions = array<i32: 0>} : vector<16xi32>
    %add3A_12 = arith.constant 16 : i32
    %add3A_13 = vector.broadcast %add3A_12 : i32 to vector<16xi32>
    %add3A_14 = arith.addi %iota3A_11, %add3A_13 : vector<16xi32>
    %max3A_15 = arith.constant 200 : i32
    %max3A_16 = vector.broadcast %max3A_15 : i32 to vector<16xi32>
    %max3A_17 = arith.maxsi %add3A_14, %max3A_16 : vector<16xi32>
    %min3A_18 = arith.constant 200 : i32
    %min3A_19 = vector.broadcast %min3A_18 : i32 to vector<16xi32>
    %min3A_20 = arith.minsi %max3A_17, %min3A_19 : vector<16xi32>
    %swap3A_21 = arith.constant 16 : index
    %swap3A_22 = tpu.vector_load %arg4[%swap3A_21] {strides = array<i32>} : memref<208xi32, #tpu.memory_space<vmem>>, vector<16xi32>,
    %swap3A_23 = vector.shape_cast %swap3A_22 : vector<16xi32> to vector<16xi32>
    %swap3A_24 = vector.shape_cast %min3A_20 : vector<16xi32> to vector<16xi32>
    tpu.vector_store %arg4[%swap3A_21], %swap3A_24 {strides = array<i32>} : memref<208xi32, #tpu.memory_space<vmem>>, vector<16xi32>,
    %iota3A_25 = tpu.iota {dimensions = array<i32: 0>} : vector<16xi32>
    %add3A_26 = arith.constant 32 : i32
    %add3A_27 = vector.broadcast %add3A_26 : i32 to vector<16xi32>
    %add3A_28 = arith.addi %iota3A_25, %add3A_27 : vector<16xi32>
    %max3A_29 = arith.constant 200 : i32
    %max3A_30 = vector.broadcast %max3A_29 : i32 to vector<16xi32>
    %max3A_31 = arith.maxsi %add3A_28, %max3A_30 : vector<16xi32>
    %min3A_32 = arith.constant 200 : i32
    %min3A_33 = vector.broadcast %min3A_32 : i32 to vector<16xi32>
    %min3A_34 = arith.minsi %max3A_31, %min3A_33 : vector<16xi32>
    %swap3A_35 = arith.constant 32 : index
    %swap3A_36 = tpu.vector_load %arg4[%swap3A_35] {strides = array<i32>} : memref<208xi32, #tpu.memory_space<vmem>>, vector<16xi32>,
    %swap3A_37 = vector.shape_cast %swap3A_36 : vector<16xi32> to vector<16xi32>
    %swap3A_38 = vector.shape_cast %min3A_34 : vector<16xi32> to vector<16xi32>
    tpu.vector_store %arg4[%swap3A_35], %swap3A_38 {strides = array<i32>} : memref<208xi32, #tpu.memory_space<vmem>>, vector<16xi32>,
    %iota3A_39 = tpu.iota {dimensions = array<i32: 0>} : vector<16xi32>
    %add3A_40 = arith.constant 48 : i32
    %add3A_41 = vector.broadcast %add3A_40 : i32 to vector<16xi32>
    %add3A_42 = arith.addi %iota3A_39, %add3A_41 : vector<16xi32>
    %max3A_43 = arith.constant 200 : i32
    %max3A_44 = vector.broadcast %max3A_43 : i32 to vector<16xi32>
    %max3A_45 = arith.maxsi %add3A_42, %max3A_44 : vector<16xi32>
    %min3A_46 = arith.constant 200 : i32
    %min3A_47 = vector.broadcast %min3A_46 : i32 to vector<16xi32>
    %min3A_48 = arith.minsi %max3A_45, %min3A_47 : vector<16xi32>
    %swap3A_49 = arith.constant 48 : index
    %swap3A_50 = tpu.vector_load %arg4[%swap3A_49] {strides = array<i32>} : memref<208xi32, #tpu.memory_space<vmem>>, vector<16xi32>,
    %swap3A_51 = vector.shape_cast %swap3A_50 : vector<16xi32> to vector<16xi32>
    %swap3A_52 = vector.shape_cast %min3A_48 : vector<16xi32> to vector<16xi32>
    tpu.vector_store %arg4[%swap3A_49], %swap3A_52 {strides = array<i32>} : memref<208xi32, #tpu.memory_space<vmem>>, vector<16xi32>,
    %iota3A_53 = tpu.iota {dimensions = array<i32: 0>} : vector<16xi32>
    %add3A_54 = arith.constant 64 : i32
    %add3A_55 = vector.broadcast %add3A_54 : i32 to vector<16xi32>
    %add3A_56 = arith.addi %iota3A_53, %add3A_55 : vector<16xi32>
    %max3A_57 = arith.constant 200 : i32
    %max3A_58 = vector.broadcast %max3A_57 : i32 to vector<16xi32>
    %max3A_59 = arith.maxsi %add3A_56, %max3A_58 : vector<16xi32>
    %min3A_60 = arith.constant 200 : i32
    %min3A_61 = vector.broadcast %min3A_60 : i32 to vector<16xi32>
    %min3A_62 = arith.minsi %max3A_59, %min3A_61 : vector<16xi32>
    %swap3A_63 = arith.constant 64 : index
    %swap3A_64 = tpu.vector_load %arg4[%swap3A_63] {strides = array<i32>} : memref<208xi32, #tpu.memory_space<vmem>>, vector<16xi32>,
    %swap3A_65 = vector.shape_cast %swap3A_64 : vector<16xi32> to vector<16xi32>
    %swap3A_66 = vector.shape_cast %min3A_62 : vector<16xi32> to vector<16xi32>
    tpu.vector_store %arg4[%swap3A_63], %swap3A_66 {strides = array<i32>} : memref<208xi32, #tpu.memory_space<vmem>>, vector<16xi32>,
    %iota3A_67 = tpu.iota {dimensions = array<i32: 0>} : vector<16xi32>
    %add3A_68 = arith.constant 80 : i32
    %add3A_69 = vector.broadcast %add3A_68 : i32 to vector<16xi32>
    %add3A_70 = arith.addi %iota3A_67, %add3A_69 : vector<16xi32>
    %max3A_71 = arith.constant 200 : i32
    %max3A_72 = vector.broadcast %max3A_71 : i32 to vector<16xi32>
    %max3A_73 = arith.maxsi %add3A_70, %max3A_72 : vector<16xi32>
    %min3A_74 = arith.constant 200 : i32
    %min3A_75 = vector.broadcast %min3A_74 : i32 to vector<16xi32>
    %min3A_76 = arith.minsi %max3A_73, %min3A_75 : vector<16xi32>
    %swap3A_77 = arith.constant 80 : index
    %swap3A_78 = tpu.vector_load %arg4[%swap3A_77] {strides = array<i32>} : memref<208xi32, #tpu.memory_space<vmem>>, vector<16xi32>,
    %swap3A_79 = vector.shape_cast %swap3A_78 : vector<16xi32> to vector<16xi32>
    %swap3A_80 = vector.shape_cast %min3A_76 : vector<16xi32> to vector<16xi32>
    tpu.vector_store %arg4[%swap3A_77], %swap3A_80 {strides = array<i32>} : memref<208xi32, #tpu.memory_space<vmem>>, vector<16xi32>,
    %iota3A_81 = tpu.iota {dimensions = array<i32: 0>} : vector<16xi32>
    %add3A_82 = arith.constant 96 : i32
    %add3A_83 = vector.broadcast %add3A_82 : i32 to vector<16xi32>
    %add3A_84 = arith.addi %iota3A_81, %add3A_83 : vector<16xi32>
    %max3A_85 = arith.constant 200 : i32
    %max3A_86 = vector.broadcast %max3A_85 : i32 to vector<16xi32>
    %max3A_87 = arith.maxsi %add3A_84, %max3A_86 : vector<16xi32>
    %min3A_88 = arith.constant 200 : i32
    %min3A_89 = vector.broadcast %min3A_88 : i32 to vector<16xi32>
    %min3A_90 = arith.minsi %max3A_87, %min3A_89 : vector<16xi32>
    %swap3A_91 = arith.constant 96 : index
    %swap3A_92 = tpu.vector_load %arg4[%swap3A_91] {strides = array<i32>} : memref<208xi32, #tpu.memory_space<vmem>>, vector<16xi32>,
    %swap3A_93 = vector.shape_cast %swap3A_92 : vector<16xi32> to vector<16xi32>
    %swap3A_94 = vector.shape_cast %min3A_90 : vector<16xi32> to vector<16xi32>
    tpu.vector_store %arg4[%swap3A_91], %swap3A_94 {strides = array<i32>} : memref<208xi32, #tpu.memory_space<vmem>>, vector<16xi32>,
    %iota3A_95 = tpu.iota {dimensions = array<i32: 0>} : vector<16xi32>
    %add3A_96 = arith.constant 112 : i32
    %add3A_97 = vector.broadcast %add3A_96 : i32 to vector<16xi32>
    %add3A_98 = arith.addi %iota3A_95, %add3A_97 : vector<16xi32>
    %max3A_99 = arith.constant 200 : i32
    %max3A_100 = vector.broadcast %max3A_99 : i32 to vector<16xi32>
    %max3A_101 = arith.maxsi %add3A_98, %max3A_100 : vector<16xi32>
    %min3A_102 = arith.constant 200 : i32
    %min3A_103 = vector.broadcast %min3A_102 : i32 to vector<16xi32>
    %min3A_104 = arith.minsi %max3A_101, %min3A_103 : vector<16xi32>
    %swap3A_105 = arith.constant 112 : index
    %swap3A_106 = tpu.vector_load %arg4[%swap3A_105] {strides = array<i32>} : memref<208xi32, #tpu.memory_space<vmem>>, vector<16xi32>,
    %swap3A_107 = vector.shape_cast %swap3A_106 : vector<16xi32> to vector<16xi32>
    %swap3A_108 = vector.shape_cast %min3A_104 : vector<16xi32> to vector<16xi32>
    tpu.vector_store %arg4[%swap3A_105], %swap3A_108 {strides = array<i32>} : memref<208xi32, #tpu.memory_space<vmem>>, vector<16xi32>,
    %iota3A_109 = tpu.iota {dimensions = array<i32: 0>} : vector<16xi32>
    %add3A_110 = arith.constant 128 : i32
    %add3A_111 = vector.broadcast %add3A_110 : i32 to vector<16xi32>
    %add3A_112 = arith.addi %iota3A_109, %add3A_111 : vector<16xi32>
    %max3A_113 = arith.constant 200 : i32
    %max3A_114 = vector.broadcast %max3A_113 : i32 to vector<16xi32>
    %max3A_115 = arith.maxsi %add3A_112, %max3A_114 : vector<16xi32>
    %min3A_116 = arith.constant 200 : i32
    %min3A_117 = vector.broadcast %min3A_116 : i32 to vector<16xi32>
    %min3A_118 = arith.minsi %max3A_115, %min3A_117 : vector<16xi32>
    %swap3A_119 = arith.constant 128 : index
    %swap3A_120 = tpu.vector_load %arg4[%swap3A_119] {strides = array<i32>} : memref<208xi32, #tpu.memory_space<vmem>>, vector<16xi32>,
    %swap3A_121 = vector.shape_cast %swap3A_120 : vector<16xi32> to vector<16xi32>
    %swap3A_122 = vector.shape_cast %min3A_118 : vector<16xi32> to vector<16xi32>
    tpu.vector_store %arg4[%swap3A_119], %swap3A_122 {strides = array<i32>} : memref<208xi32, #tpu.memory_space<vmem>>, vector<16xi32>,
    %iota3A_123 = tpu.iota {dimensions = array<i32: 0>} : vector<16xi32>
    %add3A_124 = arith.constant 144 : i32
    %add3A_125 = vector.broadcast %add3A_124 : i32 to vector<16xi32>
    %add3A_126 = arith.addi %iota3A_123, %add3A_125 : vector<16xi32>
    %max3A_127 = arith.constant 200 : i32
    %max3A_128 = vector.broadcast %max3A_127 : i32 to vector<16xi32>
    %max3A_129 = arith.maxsi %add3A_126, %max3A_128 : vector<16xi32>
    %min3A_130 = arith.constant 200 : i32
    %min3A_131 = vector.broadcast %min3A_130 : i32 to vector<16xi32>
    %min3A_132 = arith.minsi %max3A_129, %min3A_131 : vector<16xi32>
    %swap3A_133 = arith.constant 144 : index
    %swap3A_134 = tpu.vector_load %arg4[%swap3A_133] {strides = array<i32>} : memref<208xi32, #tpu.memory_space<vmem>>, vector<16xi32>,
    %swap3A_135 = vector.shape_cast %swap3A_134 : vector<16xi32> to vector<16xi32>
    %swap3A_136 = vector.shape_cast %min3A_132 : vector<16xi32> to vector<16xi32>
    tpu.vector_store %arg4[%swap3A_133], %swap3A_136 {strides = array<i32>} : memref<208xi32, #tpu.memory_space<vmem>>, vector<16xi32>,
    %iota3A_137 = tpu.iota {dimensions = array<i32: 0>} : vector<16xi32>
    %add3A_138 = arith.constant 160 : i32
    %add3A_139 = vector.broadcast %add3A_138 : i32 to vector<16xi32>
    %add3A_140 = arith.addi %iota3A_137, %add3A_139 : vector<16xi32>
    %max3A_141 = arith.constant 200 : i32
    %max3A_142 = vector.broadcast %max3A_141 : i32 to vector<16xi32>
    %max3A_143 = arith.maxsi %add3A_140, %max3A_142 : vector<16xi32>
    %min3A_144 = arith.constant 200 : i32
    %min3A_145 = vector.broadcast %min3A_144 : i32 to vector<16xi32>
    %min3A_146 = arith.minsi %max3A_143, %min3A_145 : vector<16xi32>
    %swap3A_147 = arith.constant 160 : index
    %swap3A_148 = tpu.vector_load %arg4[%swap3A_147] {strides = array<i32>} : memref<208xi32, #tpu.memory_space<vmem>>, vector<16xi32>,
    %swap3A_149 = vector.shape_cast %swap3A_148 : vector<16xi32> to vector<16xi32>
    %swap3A_150 = vector.shape_cast %min3A_146 : vector<16xi32> to vector<16xi32>
    tpu.vector_store %arg4[%swap3A_147], %swap3A_150 {strides = array<i32>} : memref<208xi32, #tpu.memory_space<vmem>>, vector<16xi32>,
    %iota3A_151 = tpu.iota {dimensions = array<i32: 0>} : vector<16xi32>
    %add3A_152 = arith.constant 176 : i32
    %add3A_153 = vector.broadcast %add3A_152 : i32 to vector<16xi32>
    %add3A_154 = arith.addi %iota3A_151, %add3A_153 : vector<16xi32>
    %max3A_155 = arith.constant 200 : i32
    %max3A_156 = vector.broadcast %max3A_155 : i32 to vector<16xi32>
    %max3A_157 = arith.maxsi %add3A_154, %max3A_156 : vector<16xi32>
    %min3A_158 = arith.constant 200 : i32
    %min3A_159 = vector.broadcast %min3A_158 : i32 to vector<16xi32>
    %min3A_160 = arith.minsi %max3A_157, %min3A_159 : vector<16xi32>
    %swap3A_161 = arith.constant 176 : index
    %swap3A_162 = tpu.vector_load %arg4[%swap3A_161] {strides = array<i32>} : memref<208xi32, #tpu.memory_space<vmem>>, vector<16xi32>,
    %swap3A_163 = vector.shape_cast %swap3A_162 : vector<16xi32> to vector<16xi32>
    %swap3A_164 = vector.shape_cast %min3A_160 : vector<16xi32> to vector<16xi32>
    tpu.vector_store %arg4[%swap3A_161], %swap3A_164 {strides = array<i32>} : memref<208xi32, #tpu.memory_space<vmem>>, vector<16xi32>,
    %iota3A_165 = tpu.iota {dimensions = array<i32: 0>} : vector<16xi32>
    %add3A_166 = arith.constant 192 : i32
    %add3A_167 = vector.broadcast %add3A_166 : i32 to vector<16xi32>
    %add3A_168 = arith.addi %iota3A_165, %add3A_167 : vector<16xi32>
    %max3A_169 = arith.constant 200 : i32
    %max3A_170 = vector.broadcast %max3A_169 : i32 to vector<16xi32>
    %max3A_171 = arith.maxsi %add3A_168, %max3A_170 : vector<16xi32>
    %min3A_172 = arith.constant 200 : i32
    %min3A_173 = vector.broadcast %min3A_172 : i32 to vector<16xi32>
    %min3A_174 = arith.minsi %max3A_171, %min3A_173 : vector<16xi32>
    %swap3A_175 = arith.constant 192 : index
    %swap3A_176 = tpu.vector_load %arg4[%swap3A_175] {strides = array<i32>} : memref<208xi32, #tpu.memory_space<vmem>>, vector<16xi32>,
    %swap3A_177 = vector.shape_cast %swap3A_176 : vector<16xi32> to vector<16xi32>
    %swap3A_178 = vector.shape_cast %min3A_174 : vector<16xi32> to vector<16xi32>
    tpu.vector_store %arg4[%swap3A_175], %swap3A_178 {strides = array<i32>} : memref<208xi32, #tpu.memory_space<vmem>>, vector<16xi32>,
    %dma_start3A = arith.constant 0 : i32
    %dma_start3A_179 = arith.constant 0 : i32
    %dma_start3A_180 = tpu.memref_slice %arg2[%dma_start3A, %dma_start3A_179] : memref<208x128xf32, #tpu.memory_space<hbm>> -> memref<208x128xf32, #tpu.memory_space<hbm>>
    tpu.enqueue_indirect_dma source(%dma_start3A_180 : memref<208x128xf32, #tpu.memory_space<hbm>>) target(%arg5 : memref<208x128xf32, #tpu.memory_space<vmem>>) offsets(%arg4 : memref<208xi32, #tpu.memory_space<vmem>>) semaphore(%arg7 : memref<!tpu.dma_semaphore, #tpu.memory_space<semaphore_mem>>)
    %dma_wait3A = arith.constant 0 : i32
    %dma_wait3A_181 = arith.constant 0 : i32
    %dma_wait3A_182 = tpu.memref_slice %arg2[%dma_wait3A, %dma_wait3A_181] : memref<208x128xf32, #tpu.memory_space<hbm>> -> memref<208x128xf32, #tpu.memory_space<hbm>>
    tpu.wait_indirect_dma semaphore(%arg7 : memref<!tpu.dma_semaphore, #tpu.memory_space<semaphore_mem>>) src(%dma_wait3A_182 : memref<208x128xf32, #tpu.memory_space<hbm>>) dst(%arg5 : memref<208x128xf32, #tpu.memory_space<vmem>>)
    %scan3A = arith.constant 0 : i32
    %scan3A_183 = arith.constant 0 : i32
    %scan3A_184 = arith.constant 200 : i32
    %scan3A_185 = arith.addi %scan3A_183, %scan3A_184 : i32
    %scan3A_186 = arith.constant 1 : i32
    scf.for %scan3A_510 = %scan3A_183 to %scan3A_185 step %scan3A_186  : i32 {
      %get3A = arith.index_cast %scan3A_510 : i32 to index
      %get3A_511 = arith.constant 0 : index
      %get3A_512 = tpu.vector_load %arg5[%get3A, %get3A_511] {strides = array<i32>} : memref<208x128xf32, #tpu.memory_space<vmem>>, vector<1x16xf32>,
      %get3A_513 = vector.shape_cast %get3A_512 : vector<1x16xf32> to vector<16xf32>
      %mul3A_514 = arith.constant 64 : i32
      %mul3A_515 = arith.muli %scan3A_510, %mul3A_514 : i32
      %add3A_516 = arith.constant 0 : i32
      %add3A_517 = arith.addi %mul3A_515, %add3A_516 : i32
      %swap3A_518 = arith.constant 0 : i32
      %swap3A_519 = arith.index_cast %swap3A_518 : i32 to index
      %swap3A_520 = arith.index_cast %add3A_517 : i32 to index
      %swap3A_521 = tpu.vector_load %arg6[%swap3A_519, %swap3A_520] {strides = array<i32>} : memref<4x12800xf32, #tpu.memory_space<vmem>>, vector<1x16xf32>,
      %swap3A_522 = vector.shape_cast %swap3A_521 : vector<1x16xf32> to vector<16xf32>
      %swap3A_523 = vector.shape_cast %get3A_513 : vector<16xf32> to vector<1x16xf32>
      tpu.vector_store %arg6[%swap3A_519, %swap3A_520], %swap3A_523 {strides = array<i32>} : memref<4x12800xf32, #tpu.memory_space<vmem>>, vector<1x16xf32>,
      %mul3A_524 = arith.constant 64 : i32
      %mul3A_525 = arith.muli %scan3A_510, %mul3A_524 : i32
      %add3A_526 = arith.constant 0 : i32
      %add3A_527 = arith.addi %mul3A_525, %add3A_526 : i32
      %swap3A_528 = arith.constant 1 : i32
      %swap3A_529 = arith.index_cast %swap3A_528 : i32 to index
      %swap3A_530 = arith.index_cast %add3A_527 : i32 to index
      %swap3A_531 = tpu.vector_load %arg6[%swap3A_529, %swap3A_530] {strides = array<i32>} : memref<4x12800xf32, #tpu.memory_space<vmem>>, vector<1x16xf32>,
      %swap3A_532 = vector.shape_cast %swap3A_531 : vector<1x16xf32> to vector<16xf32>
      %swap3A_533 = vector.shape_cast %get3A_513 : vector<16xf32> to vector<1x16xf32>
      tpu.vector_store %arg6[%swap3A_529, %swap3A_530], %swap3A_533 {strides = array<i32>} : memref<4x12800xf32, #tpu.memory_space<vmem>>, vector<1x16xf32>,
      %mul3A_534 = arith.constant 64 : i32
      %mul3A_535 = arith.muli %scan3A_510, %mul3A_534 : i32
      %add3A_536 = arith.constant 0 : i32
      %add3A_537 = arith.addi %mul3A_535, %add3A_536 : i32
      %swap3A_538 = arith.constant 2 : i32
      %swap3A_539 = arith.index_cast %swap3A_538 : i32 to index
      %swap3A_540 = arith.index_cast %add3A_537 : i32 to index
      %swap3A_541 = tpu.vector_load %arg6[%swap3A_539, %swap3A_540] {strides = array<i32>} : memref<4x12800xf32, #tpu.memory_space<vmem>>, vector<1x16xf32>,
      %swap3A_542 = vector.shape_cast %swap3A_541 : vector<1x16xf32> to vector<16xf32>
      %swap3A_543 = vector.shape_cast %get3A_513 : vector<16xf32> to vector<1x16xf32>
      tpu.vector_store %arg6[%swap3A_539, %swap3A_540], %swap3A_543 {strides = array<i32>} : memref<4x12800xf32, #tpu.memory_space<vmem>>, vector<1x16xf32>,
      %mul3A_544 = arith.constant 64 : i32
      %mul3A_545 = arith.muli %scan3A_510, %mul3A_544 : i32
      %add3A_546 = arith.constant 0 : i32
      %add3A_547 = arith.addi %mul3A_545, %add3A_546 : i32
      %swap3A_548 = arith.constant 3 : i32
      %swap3A_549 = arith.index_cast %swap3A_548 : i32 to index
      %swap3A_550 = arith.index_cast %add3A_547 : i32 to index
      %swap3A_551 = tpu.vector_load %arg6[%swap3A_549, %swap3A_550] {strides = array<i32>} : memref<4x12800xf32, #tpu.memory_space<vmem>>, vector<1x16xf32>,
      %swap3A_552 = vector.shape_cast %swap3A_551 : vector<1x16xf32> to vector<16xf32>
      %swap3A_553 = vector.shape_cast %get3A_513 : vector<16xf32> to vector<1x16xf32>
      tpu.vector_store %arg6[%swap3A_549, %swap3A_550], %swap3A_553 {strides = array<i32>} : memref<4x12800xf32, #tpu.memory_space<vmem>>, vector<1x16xf32>,
      %get3A_554 = arith.index_cast %scan3A_510 : i32 to index
      %get3A_555 = arith.constant 16 : index
      %get3A_556 = tpu.vector_load %arg5[%get3A_554, %get3A_555] {strides = array<i32>} : memref<208x128xf32, #tpu.memory_space<vmem>>, vector<1x16xf32>,
      %get3A_557 = vector.shape_cast %get3A_556 : vector<1x16xf32> to vector<16xf32>
      %mul3A_558 = arith.constant 64 : i32
      %mul3A_559 = arith.muli %scan3A_510, %mul3A_558 : i32
      %add3A_560 = arith.constant 16 : i32
      %add3A_561 = arith.addi %mul3A_559, %add3A_560 : i32
      %swap3A_562 = arith.constant 0 : i32
      %swap3A_563 = arith.index_cast %swap3A_562 : i32 to index
      %swap3A_564 = arith.index_cast %add3A_561 : i32 to index
      %swap3A_565 = tpu.vector_load %arg6[%swap3A_563, %swap3A_564] {strides = array<i32>} : memref<4x12800xf32, #tpu.memory_space<vmem>>, vector<1x16xf32>,
      %swap3A_566 = vector.shape_cast %swap3A_565 : vector<1x16xf32> to vector<16xf32>
      %swap3A_567 = vector.shape_cast %get3A_557 : vector<16xf32> to vector<1x16xf32>
      tpu.vector_store %arg6[%swap3A_563, %swap3A_564], %swap3A_567 {strides = array<i32>} : memref<4x12800xf32, #tpu.memory_space<vmem>>, vector<1x16xf32>,
      %mul3A_568 = arith.constant 64 : i32
      %mul3A_569 = arith.muli %scan3A_510, %mul3A_568 : i32
      %add3A_570 = arith.constant 16 : i32
      %add3A_571 = arith.addi %mul3A_569, %add3A_570 : i32
      %swap3A_572 = arith.constant 1 : i32
      %swap3A_573 = arith.index_cast %swap3A_572 : i32 to index
      %swap3A_574 = arith.index_cast %add3A_571 : i32 to index
      %swap3A_575 = tpu.vector_load %arg6[%swap3A_573, %swap3A_574] {strides = array<i32>} : memref<4x12800xf32, #tpu.memory_space<vmem>>, vector<1x16xf32>,
      %swap3A_576 = vector.shape_cast %swap3A_575 : vector<1x16xf32> to vector<16xf32>
      %swap3A_577 = vector.shape_cast %get3A_557 : vector<16xf32> to vector<1x16xf32>
      tpu.vector_store %arg6[%swap3A_573, %swap3A_574], %swap3A_577 {strides = array<i32>} : memref<4x12800xf32, #tpu.memory_space<vmem>>, vector<1x16xf32>,
      %mul3A_578 = arith.constant 64 : i32
      %mul3A_579 = arith.muli %scan3A_510, %mul3A_578 : i32
      %add3A_580 = arith.constant 16 : i32
      %add3A_581 = arith.addi %mul3A_579, %add3A_580 : i32
      %swap3A_582 = arith.constant 2 : i32
      %swap3A_583 = arith.index_cast %swap3A_582 : i32 to index
      %swap3A_584 = arith.index_cast %add3A_581 : i32 to index
      %swap3A_585 = tpu.vector_load %arg6[%swap3A_583, %swap3A_584] {strides = array<i32>} : memref<4x12800xf32, #tpu.memory_space<vmem>>, vector<1x16xf32>,
      %swap3A_586 = vector.shape_cast %swap3A_585 : vector<1x16xf32> to vector<16xf32>
      %swap3A_587 = vector.shape_cast %get3A_557 : vector<16xf32> to vector<1x16xf32>
      tpu.vector_store %arg6[%swap3A_583, %swap3A_584], %swap3A_587 {strides = array<i32>} : memref<4x12800xf32, #tpu.memory_space<vmem>>, vector<1x16xf32>,
      %mul3A_588 = arith.constant 64 : i32
      %mul3A_589 = arith.muli %scan3A_510, %mul3A_588 : i32
      %add3A_590 = arith.constant 16 : i32
      %add3A_591 = arith.addi %mul3A_589, %add3A_590 : i32
      %swap3A_592 = arith.constant 3 : i32
      %swap3A_593 = arith.index_cast %swap3A_592 : i32 to index
      %swap3A_594 = arith.index_cast %add3A_591 : i32 to index
      %swap3A_595 = tpu.vector_load %arg6[%swap3A_593, %swap3A_594] {strides = array<i32>} : memref<4x12800xf32, #tpu.memory_space<vmem>>, vector<1x16xf32>,
      %swap3A_596 = vector.shape_cast %swap3A_595 : vector<1x16xf32> to vector<16xf32>
      %swap3A_597 = vector.shape_cast %get3A_557 : vector<16xf32> to vector<1x16xf32>
      tpu.vector_store %arg6[%swap3A_593, %swap3A_594], %swap3A_597 {strides = array<i32>} : memref<4x12800xf32, #tpu.memory_space<vmem>>, vector<1x16xf32>,
      %get3A_598 = arith.index_cast %scan3A_510 : i32 to index
      %get3A_599 = arith.constant 32 : index
      %get3A_600 = tpu.vector_load %arg5[%get3A_598, %get3A_599] {strides = array<i32>} : memref<208x128xf32, #tpu.memory_space<vmem>>, vector<1x16xf32>,
      %get3A_601 = vector.shape_cast %get3A_600 : vector<1x16xf32> to vector<16xf32>
      %mul3A_602 = arith.constant 64 : i32
      %mul3A_603 = arith.muli %scan3A_510, %mul3A_602 : i32
      %add3A_604 = arith.constant 32 : i32
      %add3A_605 = arith.addi %mul3A_603, %add3A_604 : i32
      %swap3A_606 = arith.constant 0 : i32
      %swap3A_607 = arith.index_cast %swap3A_606 : i32 to index
      %swap3A_608 = arith.index_cast %add3A_605 : i32 to index
      %swap3A_609 = tpu.vector_load %arg6[%swap3A_607, %swap3A_608] {strides = array<i32>} : memref<4x12800xf32, #tpu.memory_space<vmem>>, vector<1x16xf32>,
      %swap3A_610 = vector.shape_cast %swap3A_609 : vector<1x16xf32> to vector<16xf32>
      %swap3A_611 = vector.shape_cast %get3A_601 : vector<16xf32> to vector<1x16xf32>
      tpu.vector_store %arg6[%swap3A_607, %swap3A_608], %swap3A_611 {strides = array<i32>} : memref<4x12800xf32, #tpu.memory_space<vmem>>, vector<1x16xf32>,
      %mul3A_612 = arith.constant 64 : i32
      %mul3A_613 = arith.muli %scan3A_510, %mul3A_612 : i32
      %add3A_614 = arith.constant 32 : i32
      %add3A_615 = arith.addi %mul3A_613, %add3A_614 : i32
      %swap3A_616 = arith.constant 1 : i32
      %swap3A_617 = arith.index_cast %swap3A_616 : i32 to index
      %swap3A_618 = arith.index_cast %add3A_615 : i32 to index
      %swap3A_619 = tpu.vector_load %arg6[%swap3A_617, %swap3A_618] {strides = array<i32>} : memref<4x12800xf32, #tpu.memory_space<vmem>>, vector<1x16xf32>,
      %swap3A_620 = vector.shape_cast %swap3A_619 : vector<1x16xf32> to vector<16xf32>
      %swap3A_621 = vector.shape_cast %get3A_601 : vector<16xf32> to vector<1x16xf32>
      tpu.vector_store %arg6[%swap3A_617, %swap3A_618], %swap3A_621 {strides = array<i32>} : memref<4x12800xf32, #tpu.memory_space<vmem>>, vector<1x16xf32>,
      %mul3A_622 = arith.constant 64 : i32
      %mul3A_623 = arith.muli %scan3A_510, %mul3A_622 : i32
      %add3A_624 = arith.constant 32 : i32
      %add3A_625 = arith.addi %mul3A_623, %add3A_624 : i32
      %swap3A_626 = arith.constant 2 : i32
      %swap3A_627 = arith.index_cast %swap3A_626 : i32 to index
      %swap3A_628 = arith.index_cast %add3A_625 : i32 to index
      %swap3A_629 = tpu.vector_load %arg6[%swap3A_627, %swap3A_628] {strides = array<i32>} : memref<4x12800xf32, #tpu.memory_space<vmem>>, vector<1x16xf32>,
      %swap3A_630 = vector.shape_cast %swap3A_629 : vector<1x16xf32> to vector<16xf32>
      %swap3A_631 = vector.shape_cast %get3A_601 : vector<16xf32> to vector<1x16xf32>
      tpu.vector_store %arg6[%swap3A_627, %swap3A_628], %swap3A_631 {strides = array<i32>} : memref<4x12800xf32, #tpu.memory_space<vmem>>, vector<1x16xf32>,
      %mul3A_632 = arith.constant 64 : i32
      %mul3A_633 = arith.muli %scan3A_510, %mul3A_632 : i32
      %add3A_634 = arith.constant 32 : i32
      %add3A_635 = arith.addi %mul3A_633, %add3A_634 : i32
      %swap3A_636 = arith.constant 3 : i32
      %swap3A_637 = arith.index_cast %swap3A_636 : i32 to index
      %swap3A_638 = arith.index_cast %add3A_635 : i32 to index
      %swap3A_639 = tpu.vector_load %arg6[%swap3A_637, %swap3A_638] {strides = array<i32>} : memref<4x12800xf32, #tpu.memory_space<vmem>>, vector<1x16xf32>,
      %swap3A_640 = vector.shape_cast %swap3A_639 : vector<1x16xf32> to vector<16xf32>
      %swap3A_641 = vector.shape_cast %get3A_601 : vector<16xf32> to vector<1x16xf32>
      tpu.vector_store %arg6[%swap3A_637, %swap3A_638], %swap3A_641 {strides = array<i32>} : memref<4x12800xf32, #tpu.memory_space<vmem>>, vector<1x16xf32>,
      %get3A_642 = arith.index_cast %scan3A_510 : i32 to index
      %get3A_643 = arith.constant 48 : index
      %get3A_644 = tpu.vector_load %arg5[%get3A_642, %get3A_643] {strides = array<i32>} : memref<208x128xf32, #tpu.memory_space<vmem>>, vector<1x16xf32>,
      %get3A_645 = vector.shape_cast %get3A_644 : vector<1x16xf32> to vector<16xf32>
      %mul3A_646 = arith.constant 64 : i32
      %mul3A_647 = arith.muli %scan3A_510, %mul3A_646 : i32
      %add3A_648 = arith.constant 48 : i32
      %add3A_649 = arith.addi %mul3A_647, %add3A_648 : i32
      %swap3A_650 = arith.constant 0 : i32
      %swap3A_651 = arith.index_cast %swap3A_650 : i32 to index
      %swap3A_652 = arith.index_cast %add3A_649 : i32 to index
      %swap3A_653 = tpu.vector_load %arg6[%swap3A_651, %swap3A_652] {strides = array<i32>} : memref<4x12800xf32, #tpu.memory_space<vmem>>, vector<1x16xf32>,
      %swap3A_654 = vector.shape_cast %swap3A_653 : vector<1x16xf32> to vector<16xf32>
      %swap3A_655 = vector.shape_cast %get3A_645 : vector<16xf32> to vector<1x16xf32>
      tpu.vector_store %arg6[%swap3A_651, %swap3A_652], %swap3A_655 {strides = array<i32>} : memref<4x12800xf32, #tpu.memory_space<vmem>>, vector<1x16xf32>,
      %mul3A_656 = arith.constant 64 : i32
      %mul3A_657 = arith.muli %scan3A_510, %mul3A_656 : i32
      %add3A_658 = arith.constant 48 : i32
      %add3A_659 = arith.addi %mul3A_657, %add3A_658 : i32
      %swap3A_660 = arith.constant 1 : i32
      %swap3A_661 = arith.index_cast %swap3A_660 : i32 to index
      %swap3A_662 = arith.index_cast %add3A_659 : i32 to index
      %swap3A_663 = tpu.vector_load %arg6[%swap3A_661, %swap3A_662] {strides = array<i32>} : memref<4x12800xf32, #tpu.memory_space<vmem>>, vector<1x16xf32>,
      %swap3A_664 = vector.shape_cast %swap3A_663 : vector<1x16xf32> to vector<16xf32>
      %swap3A_665 = vector.shape_cast %get3A_645 : vector<16xf32> to vector<1x16xf32>
      tpu.vector_store %arg6[%swap3A_661, %swap3A_662], %swap3A_665 {strides = array<i32>} : memref<4x12800xf32, #tpu.memory_space<vmem>>, vector<1x16xf32>,
      %mul3A_666 = arith.constant 64 : i32
      %mul3A_667 = arith.muli %scan3A_510, %mul3A_666 : i32
      %add3A_668 = arith.constant 48 : i32
      %add3A_669 = arith.addi %mul3A_667, %add3A_668 : i32
      %swap3A_670 = arith.constant 2 : i32
      %swap3A_671 = arith.index_cast %swap3A_670 : i32 to index
      %swap3A_672 = arith.index_cast %add3A_669 : i32 to index
      %swap3A_673 = tpu.vector_load %arg6[%swap3A_671, %swap3A_672] {strides = array<i32>} : memref<4x12800xf32, #tpu.memory_space<vmem>>, vector<1x16xf32>,
      %swap3A_674 = vector.shape_cast %swap3A_673 : vector<1x16xf32> to vector<16xf32>
      %swap3A_675 = vector.shape_cast %get3A_645 : vector<16xf32> to vector<1x16xf32>
      tpu.vector_store %arg6[%swap3A_671, %swap3A_672], %swap3A_675 {strides = array<i32>} : memref<4x12800xf32, #tpu.memory_space<vmem>>, vector<1x16xf32>,
      %mul3A_676 = arith.constant 64 : i32
      %mul3A_677 = arith.muli %scan3A_510, %mul3A_676 : i32
      %add3A_678 = arith.constant 48 : i32
      %add3A_679 = arith.addi %mul3A_677, %add3A_678 : i32
      %swap3A_680 = arith.constant 3 : i32
      %swap3A_681 = arith.index_cast %swap3A_680 : i32 to index
      %swap3A_682 = arith.index_cast %add3A_679 : i32 to index
      %swap3A_683 = tpu.vector_load %arg6[%swap3A_681, %swap3A_682] {strides = array<i32>} : memref<4x12800xf32, #tpu.memory_space<vmem>>, vector<1x16xf32>,
      %swap3A_684 = vector.shape_cast %swap3A_683 : vector<1x16xf32> to vector<16xf32>
      %swap3A_685 = vector.shape_cast %get3A_645 : vector<16xf32> to vector<1x16xf32>
      tpu.vector_store %arg6[%swap3A_681, %swap3A_682], %swap3A_685 {strides = array<i32>} : memref<4x12800xf32, #tpu.memory_space<vmem>>, vector<1x16xf32>,
    }
    %scan3A_187 = arith.constant 200 : i32
    %mul3A_188 = arith.constant 128 : i32
    %mul3A_189 = arith.muli %add3A, %mul3A_188 : i32
    %add3A_190 = arith.constant 0 : i32
    %add3A_191 = arith.addi %mul3A_189, %add3A_190 : i32
    %add3A_192 = arith.constant 4 : i32
    %add3A_193 = arith.addi %mul3A_189, %add3A_192 : i32
    %add3A_194 = arith.constant 8 : i32
    %add3A_195 = arith.addi %mul3A_189, %add3A_194 : i32
    %add3A_196 = arith.constant 12 : i32
    %add3A_197 = arith.addi %mul3A_189, %add3A_196 : i32
    %add3A_198 = arith.constant 16 : i32
    %add3A_199 = arith.addi %mul3A_189, %add3A_198 : i32
    %add3A_200 = arith.constant 20 : i32
    %add3A_201 = arith.addi %mul3A_189, %add3A_200 : i32
    %add3A_202 = arith.constant 24 : i32
    %add3A_203 = arith.addi %mul3A_189, %add3A_202 : i32
    %add3A_204 = arith.constant 28 : i32
    %add3A_205 = arith.addi %mul3A_189, %add3A_204 : i32
    %add3A_206 = arith.constant 32 : i32
    %add3A_207 = arith.addi %mul3A_189, %add3A_206 : i32
    %add3A_208 = arith.constant 36 : i32
    %add3A_209 = arith.addi %mul3A_189, %add3A_208 : i32
    %add3A_210 = arith.constant 40 : i32
    %add3A_211 = arith.addi %mul3A_189, %add3A_210 : i32
    %add3A_212 = arith.constant 44 : i32
    %add3A_213 = arith.addi %mul3A_189, %add3A_212 : i32
    %add3A_214 = arith.constant 48 : i32
    %add3A_215 = arith.addi %mul3A_189, %add3A_214 : i32
    %add3A_216 = arith.constant 52 : i32
    %add3A_217 = arith.addi %mul3A_189, %add3A_216 : i32
    %add3A_218 = arith.constant 56 : i32
    %add3A_219 = arith.addi %mul3A_189, %add3A_218 : i32
    %add3A_220 = arith.constant 60 : i32
    %add3A_221 = arith.addi %mul3A_189, %add3A_220 : i32
    %add3A_222 = arith.constant 64 : i32
    %add3A_223 = arith.addi %mul3A_189, %add3A_222 : i32
    %add3A_224 = arith.constant 68 : i32
    %add3A_225 = arith.addi %mul3A_189, %add3A_224 : i32
    %add3A_226 = arith.constant 72 : i32
    %add3A_227 = arith.addi %mul3A_189, %add3A_226 : i32
    %add3A_228 = arith.constant 76 : i32
    %add3A_229 = arith.addi %mul3A_189, %add3A_228 : i32
    %add3A_230 = arith.constant 80 : i32
    %add3A_231 = arith.addi %mul3A_189, %add3A_230 : i32
    %add3A_232 = arith.constant 84 : i32
    %add3A_233 = arith.addi %mul3A_189, %add3A_232 : i32
    %add3A_234 = arith.constant 88 : i32
    %add3A_235 = arith.addi %mul3A_189, %add3A_234 : i32
    %add3A_236 = arith.constant 92 : i32
    %add3A_237 = arith.addi %mul3A_189, %add3A_236 : i32
    %add3A_238 = arith.constant 96 : i32
    %add3A_239 = arith.addi %mul3A_189, %add3A_238 : i32
    %add3A_240 = arith.constant 100 : i32
    %add3A_241 = arith.addi %mul3A_189, %add3A_240 : i32
    %add3A_242 = arith.constant 104 : i32
    %add3A_243 = arith.addi %mul3A_189, %add3A_242 : i32
    %add3A_244 = arith.constant 108 : i32
    %add3A_245 = arith.addi %mul3A_189, %add3A_244 : i32
    %add3A_246 = arith.constant 112 : i32
    %add3A_247 = arith.addi %mul3A_189, %add3A_246 : i32
    %add3A_248 = arith.constant 116 : i32
    %add3A_249 = arith.addi %mul3A_189, %add3A_248 : i32
    %add3A_250 = arith.constant 120 : i32
    %add3A_251 = arith.addi %mul3A_189, %add3A_250 : i32
    %add3A_252 = arith.constant 124 : i32
    %add3A_253 = arith.addi %mul3A_189, %add3A_252 : i32
    %dma_start3A_254 = arith.constant 0 : i32
    %dma_start3A_255 = tpu.memref_slice %arg3[%add3A_191, %dma_start3A_254] : memref<4096x12800xf32, #tpu.memory_space<hbm>> -> memref<4x12800xf32, #tpu.memory_space<hbm>>
    %dma_start3A_256 = arith.constant 0 : i32
    %dma_start3A_257 = tpu.memref_slice %arg3[%add3A_191, %dma_start3A_256] : memref<4096x12800xf32, #tpu.memory_space<hbm>> -> memref<4x12800xf32, #tpu.memory_space<hbm>>
    tpu.enqueue_dma source(%arg6 : memref<4x12800xf32, #tpu.memory_space<vmem>>) target(%dma_start3A_257 : memref<4x12800xf32, #tpu.memory_space<hbm>>) target_semaphore(%arg8 : memref<!tpu.dma_semaphore, #tpu.memory_space<semaphore_mem>>)
    %dma_start3A_258 = arith.constant 0 : i32
    %dma_start3A_259 = tpu.memref_slice %arg3[%add3A_193, %dma_start3A_258] : memref<4096x12800xf32, #tpu.memory_space<hbm>> -> memref<4x12800xf32, #tpu.memory_space<hbm>>
    %dma_start3A_260 = arith.constant 0 : i32
    %dma_start3A_261 = tpu.memref_slice %arg3[%add3A_193, %dma_start3A_260] : memref<4096x12800xf32, #tpu.memory_space<hbm>> -> memref<4x12800xf32, #tpu.memory_space<hbm>>
    tpu.enqueue_dma source(%arg6 : memref<4x12800xf32, #tpu.memory_space<vmem>>) target(%dma_start3A_261 : memref<4x12800xf32, #tpu.memory_space<hbm>>) target_semaphore(%arg8 : memref<!tpu.dma_semaphore, #tpu.memory_space<semaphore_mem>>)
    %dma_start3A_262 = arith.constant 0 : i32
    %dma_start3A_263 = tpu.memref_slice %arg3[%add3A_195, %dma_start3A_262] : memref<4096x12800xf32, #tpu.memory_space<hbm>> -> memref<4x12800xf32, #tpu.memory_space<hbm>>
    %dma_start3A_264 = arith.constant 0 : i32
    %dma_start3A_265 = tpu.memref_slice %arg3[%add3A_195, %dma_start3A_264] : memref<4096x12800xf32, #tpu.memory_space<hbm>> -> memref<4x12800xf32, #tpu.memory_space<hbm>>
    tpu.enqueue_dma source(%arg6 : memref<4x12800xf32, #tpu.memory_space<vmem>>) target(%dma_start3A_265 : memref<4x12800xf32, #tpu.memory_space<hbm>>) target_semaphore(%arg8 : memref<!tpu.dma_semaphore, #tpu.memory_space<semaphore_mem>>)
    %dma_start3A_266 = arith.constant 0 : i32
    %dma_start3A_267 = tpu.memref_slice %arg3[%add3A_197, %dma_start3A_266] : memref<4096x12800xf32, #tpu.memory_space<hbm>> -> memref<4x12800xf32, #tpu.memory_space<hbm>>
    %dma_start3A_268 = arith.constant 0 : i32
    %dma_start3A_269 = tpu.memref_slice %arg3[%add3A_197, %dma_start3A_268] : memref<4096x12800xf32, #tpu.memory_space<hbm>> -> memref<4x12800xf32, #tpu.memory_space<hbm>>
    tpu.enqueue_dma source(%arg6 : memref<4x12800xf32, #tpu.memory_space<vmem>>) target(%dma_start3A_269 : memref<4x12800xf32, #tpu.memory_space<hbm>>) target_semaphore(%arg8 : memref<!tpu.dma_semaphore, #tpu.memory_space<semaphore_mem>>)
    %dma_start3A_270 = arith.constant 0 : i32
    %dma_start3A_271 = tpu.memref_slice %arg3[%add3A_199, %dma_start3A_270] : memref<4096x12800xf32, #tpu.memory_space<hbm>> -> memref<4x12800xf32, #tpu.memory_space<hbm>>
    %dma_start3A_272 = arith.constant 0 : i32
    %dma_start3A_273 = tpu.memref_slice %arg3[%add3A_199, %dma_start3A_272] : memref<4096x12800xf32, #tpu.memory_space<hbm>> -> memref<4x12800xf32, #tpu.memory_space<hbm>>
    tpu.enqueue_dma source(%arg6 : memref<4x12800xf32, #tpu.memory_space<vmem>>) target(%dma_start3A_273 : memref<4x12800xf32, #tpu.memory_space<hbm>>) target_semaphore(%arg8 : memref<!tpu.dma_semaphore, #tpu.memory_space<semaphore_mem>>)
    %dma_start3A_274 = arith.constant 0 : i32
    %dma_start3A_275 = tpu.memref_slice %arg3[%add3A_201, %dma_start3A_274] : memref<4096x12800xf32, #tpu.memory_space<hbm>> -> memref<4x12800xf32, #tpu.memory_space<hbm>>
    %dma_start3A_276 = arith.constant 0 : i32
    %dma_start3A_277 = tpu.memref_slice %arg3[%add3A_201, %dma_start3A_276] : memref<4096x12800xf32, #tpu.memory_space<hbm>> -> memref<4x12800xf32, #tpu.memory_space<hbm>>
    tpu.enqueue_dma source(%arg6 : memref<4x12800xf32, #tpu.memory_space<vmem>>) target(%dma_start3A_277 : memref<4x12800xf32, #tpu.memory_space<hbm>>) target_semaphore(%arg8 : memref<!tpu.dma_semaphore, #tpu.memory_space<semaphore_mem>>)
    %dma_start3A_278 = arith.constant 0 : i32
    %dma_start3A_279 = tpu.memref_slice %arg3[%add3A_203, %dma_start3A_278] : memref<4096x12800xf32, #tpu.memory_space<hbm>> -> memref<4x12800xf32, #tpu.memory_space<hbm>>
    %dma_start3A_280 = arith.constant 0 : i32
    %dma_start3A_281 = tpu.memref_slice %arg3[%add3A_203, %dma_start3A_280] : memref<4096x12800xf32, #tpu.memory_space<hbm>> -> memref<4x12800xf32, #tpu.memory_space<hbm>>
    tpu.enqueue_dma source(%arg6 : memref<4x12800xf32, #tpu.memory_space<vmem>>) target(%dma_start3A_281 : memref<4x12800xf32, #tpu.memory_space<hbm>>) target_semaphore(%arg8 : memref<!tpu.dma_semaphore, #tpu.memory_space<semaphore_mem>>)
    %dma_start3A_282 = arith.constant 0 : i32
    %dma_start3A_283 = tpu.memref_slice %arg3[%add3A_205, %dma_start3A_282] : memref<4096x12800xf32, #tpu.memory_space<hbm>> -> memref<4x12800xf32, #tpu.memory_space<hbm>>
    %dma_start3A_284 = arith.constant 0 : i32
    %dma_start3A_285 = tpu.memref_slice %arg3[%add3A_205, %dma_start3A_284] : memref<4096x12800xf32, #tpu.memory_space<hbm>> -> memref<4x12800xf32, #tpu.memory_space<hbm>>
    tpu.enqueue_dma source(%arg6 : memref<4x12800xf32, #tpu.memory_space<vmem>>) target(%dma_start3A_285 : memref<4x12800xf32, #tpu.memory_space<hbm>>) target_semaphore(%arg8 : memref<!tpu.dma_semaphore, #tpu.memory_space<semaphore_mem>>)
    %dma_start3A_286 = arith.constant 0 : i32
    %dma_start3A_287 = tpu.memref_slice %arg3[%add3A_207, %dma_start3A_286] : memref<4096x12800xf32, #tpu.memory_space<hbm>> -> memref<4x12800xf32, #tpu.memory_space<hbm>>
    %dma_start3A_288 = arith.constant 0 : i32
    %dma_start3A_289 = tpu.memref_slice %arg3[%add3A_207, %dma_start3A_288] : memref<4096x12800xf32, #tpu.memory_space<hbm>> -> memref<4x12800xf32, #tpu.memory_space<hbm>>
    tpu.enqueue_dma source(%arg6 : memref<4x12800xf32, #tpu.memory_space<vmem>>) target(%dma_start3A_289 : memref<4x12800xf32, #tpu.memory_space<hbm>>) target_semaphore(%arg8 : memref<!tpu.dma_semaphore, #tpu.memory_space<semaphore_mem>>)
    %dma_start3A_290 = arith.constant 0 : i32
    %dma_start3A_291 = tpu.memref_slice %arg3[%add3A_209, %dma_start3A_290] : memref<4096x12800xf32, #tpu.memory_space<hbm>> -> memref<4x12800xf32, #tpu.memory_space<hbm>>
    %dma_start3A_292 = arith.constant 0 : i32
    %dma_start3A_293 = tpu.memref_slice %arg3[%add3A_209, %dma_start3A_292] : memref<4096x12800xf32, #tpu.memory_space<hbm>> -> memref<4x12800xf32, #tpu.memory_space<hbm>>
    tpu.enqueue_dma source(%arg6 : memref<4x12800xf32, #tpu.memory_space<vmem>>) target(%dma_start3A_293 : memref<4x12800xf32, #tpu.memory_space<hbm>>) target_semaphore(%arg8 : memref<!tpu.dma_semaphore, #tpu.memory_space<semaphore_mem>>)
    %dma_start3A_294 = arith.constant 0 : i32
    %dma_start3A_295 = tpu.memref_slice %arg3[%add3A_211, %dma_start3A_294] : memref<4096x12800xf32, #tpu.memory_space<hbm>> -> memref<4x12800xf32, #tpu.memory_space<hbm>>
    %dma_start3A_296 = arith.constant 0 : i32
    %dma_start3A_297 = tpu.memref_slice %arg3[%add3A_211, %dma_start3A_296] : memref<4096x12800xf32, #tpu.memory_space<hbm>> -> memref<4x12800xf32, #tpu.memory_space<hbm>>
    tpu.enqueue_dma source(%arg6 : memref<4x12800xf32, #tpu.memory_space<vmem>>) target(%dma_start3A_297 : memref<4x12800xf32, #tpu.memory_space<hbm>>) target_semaphore(%arg8 : memref<!tpu.dma_semaphore, #tpu.memory_space<semaphore_mem>>)
    %dma_start3A_298 = arith.constant 0 : i32
    %dma_start3A_299 = tpu.memref_slice %arg3[%add3A_213, %dma_start3A_298] : memref<4096x12800xf32, #tpu.memory_space<hbm>> -> memref<4x12800xf32, #tpu.memory_space<hbm>>
    %dma_start3A_300 = arith.constant 0 : i32
    %dma_start3A_301 = tpu.memref_slice %arg3[%add3A_213, %dma_start3A_300] : memref<4096x12800xf32, #tpu.memory_space<hbm>> -> memref<4x12800xf32, #tpu.memory_space<hbm>>
    tpu.enqueue_dma source(%arg6 : memref<4x12800xf32, #tpu.memory_space<vmem>>) target(%dma_start3A_301 : memref<4x12800xf32, #tpu.memory_space<hbm>>) target_semaphore(%arg8 : memref<!tpu.dma_semaphore, #tpu.memory_space<semaphore_mem>>)
    %dma_start3A_302 = arith.constant 0 : i32
    %dma_start3A_303 = tpu.memref_slice %arg3[%add3A_215, %dma_start3A_302] : memref<4096x12800xf32, #tpu.memory_space<hbm>> -> memref<4x12800xf32, #tpu.memory_space<hbm>>
    %dma_start3A_304 = arith.constant 0 : i32
    %dma_start3A_305 = tpu.memref_slice %arg3[%add3A_215, %dma_start3A_304] : memref<4096x12800xf32, #tpu.memory_space<hbm>> -> memref<4x12800xf32, #tpu.memory_space<hbm>>
    tpu.enqueue_dma source(%arg6 : memref<4x12800xf32, #tpu.memory_space<vmem>>) target(%dma_start3A_305 : memref<4x12800xf32, #tpu.memory_space<hbm>>) target_semaphore(%arg8 : memref<!tpu.dma_semaphore, #tpu.memory_space<semaphore_mem>>)
    %dma_start3A_306 = arith.constant 0 : i32
    %dma_start3A_307 = tpu.memref_slice %arg3[%add3A_217, %dma_start3A_306] : memref<4096x12800xf32, #tpu.memory_space<hbm>> -> memref<4x12800xf32, #tpu.memory_space<hbm>>
    %dma_start3A_308 = arith.constant 0 : i32
    %dma_start3A_309 = tpu.memref_slice %arg3[%add3A_217, %dma_start3A_308] : memref<4096x12800xf32, #tpu.memory_space<hbm>> -> memref<4x12800xf32, #tpu.memory_space<hbm>>
    tpu.enqueue_dma source(%arg6 : memref<4x12800xf32, #tpu.memory_space<vmem>>) target(%dma_start3A_309 : memref<4x12800xf32, #tpu.memory_space<hbm>>) target_semaphore(%arg8 : memref<!tpu.dma_semaphore, #tpu.memory_space<semaphore_mem>>)
    %dma_start3A_310 = arith.constant 0 : i32
    %dma_start3A_311 = tpu.memref_slice %arg3[%add3A_219, %dma_start3A_310] : memref<4096x12800xf32, #tpu.memory_space<hbm>> -> memref<4x12800xf32, #tpu.memory_space<hbm>>
    %dma_start3A_312 = arith.constant 0 : i32
    %dma_start3A_313 = tpu.memref_slice %arg3[%add3A_219, %dma_start3A_312] : memref<4096x12800xf32, #tpu.memory_space<hbm>> -> memref<4x12800xf32, #tpu.memory_space<hbm>>
    tpu.enqueue_dma source(%arg6 : memref<4x12800xf32, #tpu.memory_space<vmem>>) target(%dma_start3A_313 : memref<4x12800xf32, #tpu.memory_space<hbm>>) target_semaphore(%arg8 : memref<!tpu.dma_semaphore, #tpu.memory_space<semaphore_mem>>)
    %dma_start3A_314 = arith.constant 0 : i32
    %dma_start3A_315 = tpu.memref_slice %arg3[%add3A_221, %dma_start3A_314] : memref<4096x12800xf32, #tpu.memory_space<hbm>> -> memref<4x12800xf32, #tpu.memory_space<hbm>>
    %dma_start3A_316 = arith.constant 0 : i32
    %dma_start3A_317 = tpu.memref_slice %arg3[%add3A_221, %dma_start3A_316] : memref<4096x12800xf32, #tpu.memory_space<hbm>> -> memref<4x12800xf32, #tpu.memory_space<hbm>>
    tpu.enqueue_dma source(%arg6 : memref<4x12800xf32, #tpu.memory_space<vmem>>) target(%dma_start3A_317 : memref<4x12800xf32, #tpu.memory_space<hbm>>) target_semaphore(%arg8 : memref<!tpu.dma_semaphore, #tpu.memory_space<semaphore_mem>>)
    %dma_start3A_318 = arith.constant 0 : i32
    %dma_start3A_319 = tpu.memref_slice %arg3[%add3A_223, %dma_start3A_318] : memref<4096x12800xf32, #tpu.memory_space<hbm>> -> memref<4x12800xf32, #tpu.memory_space<hbm>>
    %dma_start3A_320 = arith.constant 0 : i32
    %dma_start3A_321 = tpu.memref_slice %arg3[%add3A_223, %dma_start3A_320] : memref<4096x12800xf32, #tpu.memory_space<hbm>> -> memref<4x12800xf32, #tpu.memory_space<hbm>>
    tpu.enqueue_dma source(%arg6 : memref<4x12800xf32, #tpu.memory_space<vmem>>) target(%dma_start3A_321 : memref<4x12800xf32, #tpu.memory_space<hbm>>) target_semaphore(%arg8 : memref<!tpu.dma_semaphore, #tpu.memory_space<semaphore_mem>>)
    %dma_start3A_322 = arith.constant 0 : i32
    %dma_start3A_323 = tpu.memref_slice %arg3[%add3A_225, %dma_start3A_322] : memref<4096x12800xf32, #tpu.memory_space<hbm>> -> memref<4x12800xf32, #tpu.memory_space<hbm>>
    %dma_start3A_324 = arith.constant 0 : i32
    %dma_start3A_325 = tpu.memref_slice %arg3[%add3A_225, %dma_start3A_324] : memref<4096x12800xf32, #tpu.memory_space<hbm>> -> memref<4x12800xf32, #tpu.memory_space<hbm>>
    tpu.enqueue_dma source(%arg6 : memref<4x12800xf32, #tpu.memory_space<vmem>>) target(%dma_start3A_325 : memref<4x12800xf32, #tpu.memory_space<hbm>>) target_semaphore(%arg8 : memref<!tpu.dma_semaphore, #tpu.memory_space<semaphore_mem>>)
    %dma_start3A_326 = arith.constant 0 : i32
    %dma_start3A_327 = tpu.memref_slice %arg3[%add3A_227, %dma_start3A_326] : memref<4096x12800xf32, #tpu.memory_space<hbm>> -> memref<4x12800xf32, #tpu.memory_space<hbm>>
    %dma_start3A_328 = arith.constant 0 : i32
    %dma_start3A_329 = tpu.memref_slice %arg3[%add3A_227, %dma_start3A_328] : memref<4096x12800xf32, #tpu.memory_space<hbm>> -> memref<4x12800xf32, #tpu.memory_space<hbm>>
    tpu.enqueue_dma source(%arg6 : memref<4x12800xf32, #tpu.memory_space<vmem>>) target(%dma_start3A_329 : memref<4x12800xf32, #tpu.memory_space<hbm>>) target_semaphore(%arg8 : memref<!tpu.dma_semaphore, #tpu.memory_space<semaphore_mem>>)
    %dma_start3A_330 = arith.constant 0 : i32
    %dma_start3A_331 = tpu.memref_slice %arg3[%add3A_229, %dma_start3A_330] : memref<4096x12800xf32, #tpu.memory_space<hbm>> -> memref<4x12800xf32, #tpu.memory_space<hbm>>
    %dma_start3A_332 = arith.constant 0 : i32
    %dma_start3A_333 = tpu.memref_slice %arg3[%add3A_229, %dma_start3A_332] : memref<4096x12800xf32, #tpu.memory_space<hbm>> -> memref<4x12800xf32, #tpu.memory_space<hbm>>
    tpu.enqueue_dma source(%arg6 : memref<4x12800xf32, #tpu.memory_space<vmem>>) target(%dma_start3A_333 : memref<4x12800xf32, #tpu.memory_space<hbm>>) target_semaphore(%arg8 : memref<!tpu.dma_semaphore, #tpu.memory_space<semaphore_mem>>)
    %dma_start3A_334 = arith.constant 0 : i32
    %dma_start3A_335 = tpu.memref_slice %arg3[%add3A_231, %dma_start3A_334] : memref<4096x12800xf32, #tpu.memory_space<hbm>> -> memref<4x12800xf32, #tpu.memory_space<hbm>>
    %dma_start3A_336 = arith.constant 0 : i32
    %dma_start3A_337 = tpu.memref_slice %arg3[%add3A_231, %dma_start3A_336] : memref<4096x12800xf32, #tpu.memory_space<hbm>> -> memref<4x12800xf32, #tpu.memory_space<hbm>>
    tpu.enqueue_dma source(%arg6 : memref<4x12800xf32, #tpu.memory_space<vmem>>) target(%dma_start3A_337 : memref<4x12800xf32, #tpu.memory_space<hbm>>) target_semaphore(%arg8 : memref<!tpu.dma_semaphore, #tpu.memory_space<semaphore_mem>>)
    %dma_start3A_338 = arith.constant 0 : i32
    %dma_start3A_339 = tpu.memref_slice %arg3[%add3A_233, %dma_start3A_338] : memref<4096x12800xf32, #tpu.memory_space<hbm>> -> memref<4x12800xf32, #tpu.memory_space<hbm>>
    %dma_start3A_340 = arith.constant 0 : i32
    %dma_start3A_341 = tpu.memref_slice %arg3[%add3A_233, %dma_start3A_340] : memref<4096x12800xf32, #tpu.memory_space<hbm>> -> memref<4x12800xf32, #tpu.memory_space<hbm>>
    tpu.enqueue_dma source(%arg6 : memref<4x12800xf32, #tpu.memory_space<vmem>>) target(%dma_start3A_341 : memref<4x12800xf32, #tpu.memory_space<hbm>>) target_semaphore(%arg8 : memref<!tpu.dma_semaphore, #tpu.memory_space<semaphore_mem>>)
    %dma_start3A_342 = arith.constant 0 : i32
    %dma_start3A_343 = tpu.memref_slice %arg3[%add3A_235, %dma_start3A_342] : memref<4096x12800xf32, #tpu.memory_space<hbm>> -> memref<4x12800xf32, #tpu.memory_space<hbm>>
    %dma_start3A_344 = arith.constant 0 : i32
    %dma_start3A_345 = tpu.memref_slice %arg3[%add3A_235, %dma_start3A_344] : memref<4096x12800xf32, #tpu.memory_space<hbm>> -> memref<4x12800xf32, #tpu.memory_space<hbm>>
    tpu.enqueue_dma source(%arg6 : memref<4x12800xf32, #tpu.memory_space<vmem>>) target(%dma_start3A_345 : memref<4x12800xf32, #tpu.memory_space<hbm>>) target_semaphore(%arg8 : memref<!tpu.dma_semaphore, #tpu.memory_space<semaphore_mem>>)
    %dma_start3A_346 = arith.constant 0 : i32
    %dma_start3A_347 = tpu.memref_slice %arg3[%add3A_237, %dma_start3A_346] : memref<4096x12800xf32, #tpu.memory_space<hbm>> -> memref<4x12800xf32, #tpu.memory_space<hbm>>
    %dma_start3A_348 = arith.constant 0 : i32
    %dma_start3A_349 = tpu.memref_slice %arg3[%add3A_237, %dma_start3A_348] : memref<4096x12800xf32, #tpu.memory_space<hbm>> -> memref<4x12800xf32, #tpu.memory_space<hbm>>
    tpu.enqueue_dma source(%arg6 : memref<4x12800xf32, #tpu.memory_space<vmem>>) target(%dma_start3A_349 : memref<4x12800xf32, #tpu.memory_space<hbm>>) target_semaphore(%arg8 : memref<!tpu.dma_semaphore, #tpu.memory_space<semaphore_mem>>)
    %dma_start3A_350 = arith.constant 0 : i32
    %dma_start3A_351 = tpu.memref_slice %arg3[%add3A_239, %dma_start3A_350] : memref<4096x12800xf32, #tpu.memory_space<hbm>> -> memref<4x12800xf32, #tpu.memory_space<hbm>>
    %dma_start3A_352 = arith.constant 0 : i32
    %dma_start3A_353 = tpu.memref_slice %arg3[%add3A_239, %dma_start3A_352] : memref<4096x12800xf32, #tpu.memory_space<hbm>> -> memref<4x12800xf32, #tpu.memory_space<hbm>>
    tpu.enqueue_dma source(%arg6 : memref<4x12800xf32, #tpu.memory_space<vmem>>) target(%dma_start3A_353 : memref<4x12800xf32, #tpu.memory_space<hbm>>) target_semaphore(%arg8 : memref<!tpu.dma_semaphore, #tpu.memory_space<semaphore_mem>>)
    %dma_start3A_354 = arith.constant 0 : i32
    %dma_start3A_355 = tpu.memref_slice %arg3[%add3A_241, %dma_start3A_354] : memref<4096x12800xf32, #tpu.memory_space<hbm>> -> memref<4x12800xf32, #tpu.memory_space<hbm>>
    %dma_start3A_356 = arith.constant 0 : i32
    %dma_start3A_357 = tpu.memref_slice %arg3[%add3A_241, %dma_start3A_356] : memref<4096x12800xf32, #tpu.memory_space<hbm>> -> memref<4x12800xf32, #tpu.memory_space<hbm>>
    tpu.enqueue_dma source(%arg6 : memref<4x12800xf32, #tpu.memory_space<vmem>>) target(%dma_start3A_357 : memref<4x12800xf32, #tpu.memory_space<hbm>>) target_semaphore(%arg8 : memref<!tpu.dma_semaphore, #tpu.memory_space<semaphore_mem>>)
    %dma_start3A_358 = arith.constant 0 : i32
    %dma_start3A_359 = tpu.memref_slice %arg3[%add3A_243, %dma_start3A_358] : memref<4096x12800xf32, #tpu.memory_space<hbm>> -> memref<4x12800xf32, #tpu.memory_space<hbm>>
    %dma_start3A_360 = arith.constant 0 : i32
    %dma_start3A_361 = tpu.memref_slice %arg3[%add3A_243, %dma_start3A_360] : memref<4096x12800xf32, #tpu.memory_space<hbm>> -> memref<4x12800xf32, #tpu.memory_space<hbm>>
    tpu.enqueue_dma source(%arg6 : memref<4x12800xf32, #tpu.memory_space<vmem>>) target(%dma_start3A_361 : memref<4x12800xf32, #tpu.memory_space<hbm>>) target_semaphore(%arg8 : memref<!tpu.dma_semaphore, #tpu.memory_space<semaphore_mem>>)
    %dma_start3A_362 = arith.constant 0 : i32
    %dma_start3A_363 = tpu.memref_slice %arg3[%add3A_245, %dma_start3A_362] : memref<4096x12800xf32, #tpu.memory_space<hbm>> -> memref<4x12800xf32, #tpu.memory_space<hbm>>
    %dma_start3A_364 = arith.constant 0 : i32
    %dma_start3A_365 = tpu.memref_slice %arg3[%add3A_245, %dma_start3A_364] : memref<4096x12800xf32, #tpu.memory_space<hbm>> -> memref<4x12800xf32, #tpu.memory_space<hbm>>
    tpu.enqueue_dma source(%arg6 : memref<4x12800xf32, #tpu.memory_space<vmem>>) target(%dma_start3A_365 : memref<4x12800xf32, #tpu.memory_space<hbm>>) target_semaphore(%arg8 : memref<!tpu.dma_semaphore, #tpu.memory_space<semaphore_mem>>)
    %dma_start3A_366 = arith.constant 0 : i32
    %dma_start3A_367 = tpu.memref_slice %arg3[%add3A_247, %dma_start3A_366] : memref<4096x12800xf32, #tpu.memory_space<hbm>> -> memref<4x12800xf32, #tpu.memory_space<hbm>>
    %dma_start3A_368 = arith.constant 0 : i32
    %dma_start3A_369 = tpu.memref_slice %arg3[%add3A_247, %dma_start3A_368] : memref<4096x12800xf32, #tpu.memory_space<hbm>> -> memref<4x12800xf32, #tpu.memory_space<hbm>>
    tpu.enqueue_dma source(%arg6 : memref<4x12800xf32, #tpu.memory_space<vmem>>) target(%dma_start3A_369 : memref<4x12800xf32, #tpu.memory_space<hbm>>) target_semaphore(%arg8 : memref<!tpu.dma_semaphore, #tpu.memory_space<semaphore_mem>>)
    %dma_start3A_370 = arith.constant 0 : i32
    %dma_start3A_371 = tpu.memref_slice %arg3[%add3A_249, %dma_start3A_370] : memref<4096x12800xf32, #tpu.memory_space<hbm>> -> memref<4x12800xf32, #tpu.memory_space<hbm>>
    %dma_start3A_372 = arith.constant 0 : i32
    %dma_start3A_373 = tpu.memref_slice %arg3[%add3A_249, %dma_start3A_372] : memref<4096x12800xf32, #tpu.memory_space<hbm>> -> memref<4x12800xf32, #tpu.memory_space<hbm>>
    tpu.enqueue_dma source(%arg6 : memref<4x12800xf32, #tpu.memory_space<vmem>>) target(%dma_start3A_373 : memref<4x12800xf32, #tpu.memory_space<hbm>>) target_semaphore(%arg8 : memref<!tpu.dma_semaphore, #tpu.memory_space<semaphore_mem>>)
    %dma_start3A_374 = arith.constant 0 : i32
    %dma_start3A_375 = tpu.memref_slice %arg3[%add3A_251, %dma_start3A_374] : memref<4096x12800xf32, #tpu.memory_space<hbm>> -> memref<4x12800xf32, #tpu.memory_space<hbm>>
    %dma_start3A_376 = arith.constant 0 : i32
    %dma_start3A_377 = tpu.memref_slice %arg3[%add3A_251, %dma_start3A_376] : memref<4096x12800xf32, #tpu.memory_space<hbm>> -> memref<4x12800xf32, #tpu.memory_space<hbm>>
    tpu.enqueue_dma source(%arg6 : memref<4x12800xf32, #tpu.memory_space<vmem>>) target(%dma_start3A_377 : memref<4x12800xf32, #tpu.memory_space<hbm>>) target_semaphore(%arg8 : memref<!tpu.dma_semaphore, #tpu.memory_space<semaphore_mem>>)
    %dma_start3A_378 = arith.constant 0 : i32
    %dma_start3A_379 = tpu.memref_slice %arg3[%add3A_253, %dma_start3A_378] : memref<4096x12800xf32, #tpu.memory_space<hbm>> -> memref<4x12800xf32, #tpu.memory_space<hbm>>
    %dma_start3A_380 = arith.constant 0 : i32
    %dma_start3A_381 = tpu.memref_slice %arg3[%add3A_253, %dma_start3A_380] : memref<4096x12800xf32, #tpu.memory_space<hbm>> -> memref<4x12800xf32, #tpu.memory_space<hbm>>
    tpu.enqueue_dma source(%arg6 : memref<4x12800xf32, #tpu.memory_space<vmem>>) target(%dma_start3A_381 : memref<4x12800xf32, #tpu.memory_space<hbm>>) target_semaphore(%arg8 : memref<!tpu.dma_semaphore, #tpu.memory_space<semaphore_mem>>)
    %dma_wait3A_382 = arith.constant 0 : i32
    %dma_wait3A_383 = tpu.memref_slice %arg3[%add3A_191, %dma_wait3A_382] : memref<4096x12800xf32, #tpu.memory_space<hbm>> -> memref<4x12800xf32, #tpu.memory_space<hbm>>
    %dma_wait3A_384 = arith.constant 0 : i32
    %dma_wait3A_385 = tpu.memref_slice %arg3[%add3A_191, %dma_wait3A_384] : memref<4096x12800xf32, #tpu.memory_space<hbm>> -> memref<4x12800xf32, #tpu.memory_space<hbm>>
    tpu.wait_dma2 semaphore(%arg8 : memref<!tpu.dma_semaphore, #tpu.memory_space<semaphore_mem>>) src(%arg6 : memref<4x12800xf32, #tpu.memory_space<vmem>>) dst(%dma_wait3A_385 : memref<4x12800xf32, #tpu.memory_space<hbm>>)
    %dma_wait3A_386 = arith.constant 0 : i32
    %dma_wait3A_387 = tpu.memref_slice %arg3[%add3A_193, %dma_wait3A_386] : memref<4096x12800xf32, #tpu.memory_space<hbm>> -> memref<4x12800xf32, #tpu.memory_space<hbm>>
    %dma_wait3A_388 = arith.constant 0 : i32
    %dma_wait3A_389 = tpu.memref_slice %arg3[%add3A_193, %dma_wait3A_388] : memref<4096x12800xf32, #tpu.memory_space<hbm>> -> memref<4x12800xf32, #tpu.memory_space<hbm>>
    tpu.wait_dma2 semaphore(%arg8 : memref<!tpu.dma_semaphore, #tpu.memory_space<semaphore_mem>>) src(%arg6 : memref<4x12800xf32, #tpu.memory_space<vmem>>) dst(%dma_wait3A_389 : memref<4x12800xf32, #tpu.memory_space<hbm>>)
    %dma_wait3A_390 = arith.constant 0 : i32
    %dma_wait3A_391 = tpu.memref_slice %arg3[%add3A_195, %dma_wait3A_390] : memref<4096x12800xf32, #tpu.memory_space<hbm>> -> memref<4x12800xf32, #tpu.memory_space<hbm>>
    %dma_wait3A_392 = arith.constant 0 : i32
    %dma_wait3A_393 = tpu.memref_slice %arg3[%add3A_195, %dma_wait3A_392] : memref<4096x12800xf32, #tpu.memory_space<hbm>> -> memref<4x12800xf32, #tpu.memory_space<hbm>>
    tpu.wait_dma2 semaphore(%arg8 : memref<!tpu.dma_semaphore, #tpu.memory_space<semaphore_mem>>) src(%arg6 : memref<4x12800xf32, #tpu.memory_space<vmem>>) dst(%dma_wait3A_393 : memref<4x12800xf32, #tpu.memory_space<hbm>>)
    %dma_wait3A_394 = arith.constant 0 : i32
    %dma_wait3A_395 = tpu.memref_slice %arg3[%add3A_197, %dma_wait3A_394] : memref<4096x12800xf32, #tpu.memory_space<hbm>> -> memref<4x12800xf32, #tpu.memory_space<hbm>>
    %dma_wait3A_396 = arith.constant 0 : i32
    %dma_wait3A_397 = tpu.memref_slice %arg3[%add3A_197, %dma_wait3A_396] : memref<4096x12800xf32, #tpu.memory_space<hbm>> -> memref<4x12800xf32, #tpu.memory_space<hbm>>
    tpu.wait_dma2 semaphore(%arg8 : memref<!tpu.dma_semaphore, #tpu.memory_space<semaphore_mem>>) src(%arg6 : memref<4x12800xf32, #tpu.memory_space<vmem>>) dst(%dma_wait3A_397 : memref<4x12800xf32, #tpu.memory_space<hbm>>)
    %dma_wait3A_398 = arith.constant 0 : i32
    %dma_wait3A_399 = tpu.memref_slice %arg3[%add3A_199, %dma_wait3A_398] : memref<4096x12800xf32, #tpu.memory_space<hbm>> -> memref<4x12800xf32, #tpu.memory_space<hbm>>
    %dma_wait3A_400 = arith.constant 0 : i32
    %dma_wait3A_401 = tpu.memref_slice %arg3[%add3A_199, %dma_wait3A_400] : memref<4096x12800xf32, #tpu.memory_space<hbm>> -> memref<4x12800xf32, #tpu.memory_space<hbm>>
    tpu.wait_dma2 semaphore(%arg8 : memref<!tpu.dma_semaphore, #tpu.memory_space<semaphore_mem>>) src(%arg6 : memref<4x12800xf32, #tpu.memory_space<vmem>>) dst(%dma_wait3A_401 : memref<4x12800xf32, #tpu.memory_space<hbm>>)
    %dma_wait3A_402 = arith.constant 0 : i32
    %dma_wait3A_403 = tpu.memref_slice %arg3[%add3A_201, %dma_wait3A_402] : memref<4096x12800xf32, #tpu.memory_space<hbm>> -> memref<4x12800xf32, #tpu.memory_space<hbm>>
    %dma_wait3A_404 = arith.constant 0 : i32
    %dma_wait3A_405 = tpu.memref_slice %arg3[%add3A_201, %dma_wait3A_404] : memref<4096x12800xf32, #tpu.memory_space<hbm>> -> memref<4x12800xf32, #tpu.memory_space<hbm>>
    tpu.wait_dma2 semaphore(%arg8 : memref<!tpu.dma_semaphore, #tpu.memory_space<semaphore_mem>>) src(%arg6 : memref<4x12800xf32, #tpu.memory_space<vmem>>) dst(%dma_wait3A_405 : memref<4x12800xf32, #tpu.memory_space<hbm>>)
    %dma_wait3A_406 = arith.constant 0 : i32
    %dma_wait3A_407 = tpu.memref_slice %arg3[%add3A_203, %dma_wait3A_406] : memref<4096x12800xf32, #tpu.memory_space<hbm>> -> memref<4x12800xf32, #tpu.memory_space<hbm>>
    %dma_wait3A_408 = arith.constant 0 : i32
    %dma_wait3A_409 = tpu.memref_slice %arg3[%add3A_203, %dma_wait3A_408] : memref<4096x12800xf32, #tpu.memory_space<hbm>> -> memref<4x12800xf32, #tpu.memory_space<hbm>>
    tpu.wait_dma2 semaphore(%arg8 : memref<!tpu.dma_semaphore, #tpu.memory_space<semaphore_mem>>) src(%arg6 : memref<4x12800xf32, #tpu.memory_space<vmem>>) dst(%dma_wait3A_409 : memref<4x12800xf32, #tpu.memory_space<hbm>>)
    %dma_wait3A_410 = arith.constant 0 : i32
    %dma_wait3A_411 = tpu.memref_slice %arg3[%add3A_205, %dma_wait3A_410] : memref<4096x12800xf32, #tpu.memory_space<hbm>> -> memref<4x12800xf32, #tpu.memory_space<hbm>>
    %dma_wait3A_412 = arith.constant 0 : i32
    %dma_wait3A_413 = tpu.memref_slice %arg3[%add3A_205, %dma_wait3A_412] : memref<4096x12800xf32, #tpu.memory_space<hbm>> -> memref<4x12800xf32, #tpu.memory_space<hbm>>
    tpu.wait_dma2 semaphore(%arg8 : memref<!tpu.dma_semaphore, #tpu.memory_space<semaphore_mem>>) src(%arg6 : memref<4x12800xf32, #tpu.memory_space<vmem>>) dst(%dma_wait3A_413 : memref<4x12800xf32, #tpu.memory_space<hbm>>)
    %dma_wait3A_414 = arith.constant 0 : i32
    %dma_wait3A_415 = tpu.memref_slice %arg3[%add3A_207, %dma_wait3A_414] : memref<4096x12800xf32, #tpu.memory_space<hbm>> -> memref<4x12800xf32, #tpu.memory_space<hbm>>
    %dma_wait3A_416 = arith.constant 0 : i32
    %dma_wait3A_417 = tpu.memref_slice %arg3[%add3A_207, %dma_wait3A_416] : memref<4096x12800xf32, #tpu.memory_space<hbm>> -> memref<4x12800xf32, #tpu.memory_space<hbm>>
    tpu.wait_dma2 semaphore(%arg8 : memref<!tpu.dma_semaphore, #tpu.memory_space<semaphore_mem>>) src(%arg6 : memref<4x12800xf32, #tpu.memory_space<vmem>>) dst(%dma_wait3A_417 : memref<4x12800xf32, #tpu.memory_space<hbm>>)
    %dma_wait3A_418 = arith.constant 0 : i32
    %dma_wait3A_419 = tpu.memref_slice %arg3[%add3A_209, %dma_wait3A_418] : memref<4096x12800xf32, #tpu.memory_space<hbm>> -> memref<4x12800xf32, #tpu.memory_space<hbm>>
    %dma_wait3A_420 = arith.constant 0 : i32
    %dma_wait3A_421 = tpu.memref_slice %arg3[%add3A_209, %dma_wait3A_420] : memref<4096x12800xf32, #tpu.memory_space<hbm>> -> memref<4x12800xf32, #tpu.memory_space<hbm>>
    tpu.wait_dma2 semaphore(%arg8 : memref<!tpu.dma_semaphore, #tpu.memory_space<semaphore_mem>>) src(%arg6 : memref<4x12800xf32, #tpu.memory_space<vmem>>) dst(%dma_wait3A_421 : memref<4x12800xf32, #tpu.memory_space<hbm>>)
    %dma_wait3A_422 = arith.constant 0 : i32
    %dma_wait3A_423 = tpu.memref_slice %arg3[%add3A_211, %dma_wait3A_422] : memref<4096x12800xf32, #tpu.memory_space<hbm>> -> memref<4x12800xf32, #tpu.memory_space<hbm>>
    %dma_wait3A_424 = arith.constant 0 : i32
    %dma_wait3A_425 = tpu.memref_slice %arg3[%add3A_211, %dma_wait3A_424] : memref<4096x12800xf32, #tpu.memory_space<hbm>> -> memref<4x12800xf32, #tpu.memory_space<hbm>>
    tpu.wait_dma2 semaphore(%arg8 : memref<!tpu.dma_semaphore, #tpu.memory_space<semaphore_mem>>) src(%arg6 : memref<4x12800xf32, #tpu.memory_space<vmem>>) dst(%dma_wait3A_425 : memref<4x12800xf32, #tpu.memory_space<hbm>>)
    %dma_wait3A_426 = arith.constant 0 : i32
    %dma_wait3A_427 = tpu.memref_slice %arg3[%add3A_213, %dma_wait3A_426] : memref<4096x12800xf32, #tpu.memory_space<hbm>> -> memref<4x12800xf32, #tpu.memory_space<hbm>>
    %dma_wait3A_428 = arith.constant 0 : i32
    %dma_wait3A_429 = tpu.memref_slice %arg3[%add3A_213, %dma_wait3A_428] : memref<4096x12800xf32, #tpu.memory_space<hbm>> -> memref<4x12800xf32, #tpu.memory_space<hbm>>
    tpu.wait_dma2 semaphore(%arg8 : memref<!tpu.dma_semaphore, #tpu.memory_space<semaphore_mem>>) src(%arg6 : memref<4x12800xf32, #tpu.memory_space<vmem>>) dst(%dma_wait3A_429 : memref<4x12800xf32, #tpu.memory_space<hbm>>)
    %dma_wait3A_430 = arith.constant 0 : i32
    %dma_wait3A_431 = tpu.memref_slice %arg3[%add3A_215, %dma_wait3A_430] : memref<4096x12800xf32, #tpu.memory_space<hbm>> -> memref<4x12800xf32, #tpu.memory_space<hbm>>
    %dma_wait3A_432 = arith.constant 0 : i32
    %dma_wait3A_433 = tpu.memref_slice %arg3[%add3A_215, %dma_wait3A_432] : memref<4096x12800xf32, #tpu.memory_space<hbm>> -> memref<4x12800xf32, #tpu.memory_space<hbm>>
    tpu.wait_dma2 semaphore(%arg8 : memref<!tpu.dma_semaphore, #tpu.memory_space<semaphore_mem>>) src(%arg6 : memref<4x12800xf32, #tpu.memory_space<vmem>>) dst(%dma_wait3A_433 : memref<4x12800xf32, #tpu.memory_space<hbm>>)
    %dma_wait3A_434 = arith.constant 0 : i32
    %dma_wait3A_435 = tpu.memref_slice %arg3[%add3A_217, %dma_wait3A_434] : memref<4096x12800xf32, #tpu.memory_space<hbm>> -> memref<4x12800xf32, #tpu.memory_space<hbm>>
    %dma_wait3A_436 = arith.constant 0 : i32
    %dma_wait3A_437 = tpu.memref_slice %arg3[%add3A_217, %dma_wait3A_436] : memref<4096x12800xf32, #tpu.memory_space<hbm>> -> memref<4x12800xf32, #tpu.memory_space<hbm>>
    tpu.wait_dma2 semaphore(%arg8 : memref<!tpu.dma_semaphore, #tpu.memory_space<semaphore_mem>>) src(%arg6 : memref<4x12800xf32, #tpu.memory_space<vmem>>) dst(%dma_wait3A_437 : memref<4x12800xf32, #tpu.memory_space<hbm>>)
    %dma_wait3A_438 = arith.constant 0 : i32
    %dma_wait3A_439 = tpu.memref_slice %arg3[%add3A_219, %dma_wait3A_438] : memref<4096x12800xf32, #tpu.memory_space<hbm>> -> memref<4x12800xf32, #tpu.memory_space<hbm>>
    %dma_wait3A_440 = arith.constant 0 : i32
    %dma_wait3A_441 = tpu.memref_slice %arg3[%add3A_219, %dma_wait3A_440] : memref<4096x12800xf32, #tpu.memory_space<hbm>> -> memref<4x12800xf32, #tpu.memory_space<hbm>>
    tpu.wait_dma2 semaphore(%arg8 : memref<!tpu.dma_semaphore, #tpu.memory_space<semaphore_mem>>) src(%arg6 : memref<4x12800xf32, #tpu.memory_space<vmem>>) dst(%dma_wait3A_441 : memref<4x12800xf32, #tpu.memory_space<hbm>>)
    %dma_wait3A_442 = arith.constant 0 : i32
    %dma_wait3A_443 = tpu.memref_slice %arg3[%add3A_221, %dma_wait3A_442] : memref<4096x12800xf32, #tpu.memory_space<hbm>> -> memref<4x12800xf32, #tpu.memory_space<hbm>>
    %dma_wait3A_444 = arith.constant 0 : i32
    %dma_wait3A_445 = tpu.memref_slice %arg3[%add3A_221, %dma_wait3A_444] : memref<4096x12800xf32, #tpu.memory_space<hbm>> -> memref<4x12800xf32, #tpu.memory_space<hbm>>
    tpu.wait_dma2 semaphore(%arg8 : memref<!tpu.dma_semaphore, #tpu.memory_space<semaphore_mem>>) src(%arg6 : memref<4x12800xf32, #tpu.memory_space<vmem>>) dst(%dma_wait3A_445 : memref<4x12800xf32, #tpu.memory_space<hbm>>)
    %dma_wait3A_446 = arith.constant 0 : i32
    %dma_wait3A_447 = tpu.memref_slice %arg3[%add3A_223, %dma_wait3A_446] : memref<4096x12800xf32, #tpu.memory_space<hbm>> -> memref<4x12800xf32, #tpu.memory_space<hbm>>
    %dma_wait3A_448 = arith.constant 0 : i32
    %dma_wait3A_449 = tpu.memref_slice %arg3[%add3A_223, %dma_wait3A_448] : memref<4096x12800xf32, #tpu.memory_space<hbm>> -> memref<4x12800xf32, #tpu.memory_space<hbm>>
    tpu.wait_dma2 semaphore(%arg8 : memref<!tpu.dma_semaphore, #tpu.memory_space<semaphore_mem>>) src(%arg6 : memref<4x12800xf32, #tpu.memory_space<vmem>>) dst(%dma_wait3A_449 : memref<4x12800xf32, #tpu.memory_space<hbm>>)
    %dma_wait3A_450 = arith.constant 0 : i32
    %dma_wait3A_451 = tpu.memref_slice %arg3[%add3A_225, %dma_wait3A_450] : memref<4096x12800xf32, #tpu.memory_space<hbm>> -> memref<4x12800xf32, #tpu.memory_space<hbm>>
    %dma_wait3A_452 = arith.constant 0 : i32
    %dma_wait3A_453 = tpu.memref_slice %arg3[%add3A_225, %dma_wait3A_452] : memref<4096x12800xf32, #tpu.memory_space<hbm>> -> memref<4x12800xf32, #tpu.memory_space<hbm>>
    tpu.wait_dma2 semaphore(%arg8 : memref<!tpu.dma_semaphore, #tpu.memory_space<semaphore_mem>>) src(%arg6 : memref<4x12800xf32, #tpu.memory_space<vmem>>) dst(%dma_wait3A_453 : memref<4x12800xf32, #tpu.memory_space<hbm>>)
    %dma_wait3A_454 = arith.constant 0 : i32
    %dma_wait3A_455 = tpu.memref_slice %arg3[%add3A_227, %dma_wait3A_454] : memref<4096x12800xf32, #tpu.memory_space<hbm>> -> memref<4x12800xf32, #tpu.memory_space<hbm>>
    %dma_wait3A_456 = arith.constant 0 : i32
    %dma_wait3A_457 = tpu.memref_slice %arg3[%add3A_227, %dma_wait3A_456] : memref<4096x12800xf32, #tpu.memory_space<hbm>> -> memref<4x12800xf32, #tpu.memory_space<hbm>>
    tpu.wait_dma2 semaphore(%arg8 : memref<!tpu.dma_semaphore, #tpu.memory_space<semaphore_mem>>) src(%arg6 : memref<4x12800xf32, #tpu.memory_space<vmem>>) dst(%dma_wait3A_457 : memref<4x12800xf32, #tpu.memory_space<hbm>>)
    %dma_wait3A_458 = arith.constant 0 : i32
    %dma_wait3A_459 = tpu.memref_slice %arg3[%add3A_229, %dma_wait3A_458] : memref<4096x12800xf32, #tpu.memory_space<hbm>> -> memref<4x12800xf32, #tpu.memory_space<hbm>>
    %dma_wait3A_460 = arith.constant 0 : i32
    %dma_wait3A_461 = tpu.memref_slice %arg3[%add3A_229, %dma_wait3A_460] : memref<4096x12800xf32, #tpu.memory_space<hbm>> -> memref<4x12800xf32, #tpu.memory_space<hbm>>
    tpu.wait_dma2 semaphore(%arg8 : memref<!tpu.dma_semaphore, #tpu.memory_space<semaphore_mem>>) src(%arg6 : memref<4x12800xf32, #tpu.memory_space<vmem>>) dst(%dma_wait3A_461 : memref<4x12800xf32, #tpu.memory_space<hbm>>)
    %dma_wait3A_462 = arith.constant 0 : i32
    %dma_wait3A_463 = tpu.memref_slice %arg3[%add3A_231, %dma_wait3A_462] : memref<4096x12800xf32, #tpu.memory_space<hbm>> -> memref<4x12800xf32, #tpu.memory_space<hbm>>
    %dma_wait3A_464 = arith.constant 0 : i32
    %dma_wait3A_465 = tpu.memref_slice %arg3[%add3A_231, %dma_wait3A_464] : memref<4096x12800xf32, #tpu.memory_space<hbm>> -> memref<4x12800xf32, #tpu.memory_space<hbm>>
    tpu.wait_dma2 semaphore(%arg8 : memref<!tpu.dma_semaphore, #tpu.memory_space<semaphore_mem>>) src(%arg6 : memref<4x12800xf32, #tpu.memory_space<vmem>>) dst(%dma_wait3A_465 : memref<4x12800xf32, #tpu.memory_space<hbm>>)
    %dma_wait3A_466 = arith.constant 0 : i32
    %dma_wait3A_467 = tpu.memref_slice %arg3[%add3A_233, %dma_wait3A_466] : memref<4096x12800xf32, #tpu.memory_space<hbm>> -> memref<4x12800xf32, #tpu.memory_space<hbm>>
    %dma_wait3A_468 = arith.constant 0 : i32
    %dma_wait3A_469 = tpu.memref_slice %arg3[%add3A_233, %dma_wait3A_468] : memref<4096x12800xf32, #tpu.memory_space<hbm>> -> memref<4x12800xf32, #tpu.memory_space<hbm>>
    tpu.wait_dma2 semaphore(%arg8 : memref<!tpu.dma_semaphore, #tpu.memory_space<semaphore_mem>>) src(%arg6 : memref<4x12800xf32, #tpu.memory_space<vmem>>) dst(%dma_wait3A_469 : memref<4x12800xf32, #tpu.memory_space<hbm>>)
    %dma_wait3A_470 = arith.constant 0 : i32
    %dma_wait3A_471 = tpu.memref_slice %arg3[%add3A_235, %dma_wait3A_470] : memref<4096x12800xf32, #tpu.memory_space<hbm>> -> memref<4x12800xf32, #tpu.memory_space<hbm>>
    %dma_wait3A_472 = arith.constant 0 : i32
    %dma_wait3A_473 = tpu.memref_slice %arg3[%add3A_235, %dma_wait3A_472] : memref<4096x12800xf32, #tpu.memory_space<hbm>> -> memref<4x12800xf32, #tpu.memory_space<hbm>>
    tpu.wait_dma2 semaphore(%arg8 : memref<!tpu.dma_semaphore, #tpu.memory_space<semaphore_mem>>) src(%arg6 : memref<4x12800xf32, #tpu.memory_space<vmem>>) dst(%dma_wait3A_473 : memref<4x12800xf32, #tpu.memory_space<hbm>>)
    %dma_wait3A_474 = arith.constant 0 : i32
    %dma_wait3A_475 = tpu.memref_slice %arg3[%add3A_237, %dma_wait3A_474] : memref<4096x12800xf32, #tpu.memory_space<hbm>> -> memref<4x12800xf32, #tpu.memory_space<hbm>>
    %dma_wait3A_476 = arith.constant 0 : i32
    %dma_wait3A_477 = tpu.memref_slice %arg3[%add3A_237, %dma_wait3A_476] : memref<4096x12800xf32, #tpu.memory_space<hbm>> -> memref<4x12800xf32, #tpu.memory_space<hbm>>
    tpu.wait_dma2 semaphore(%arg8 : memref<!tpu.dma_semaphore, #tpu.memory_space<semaphore_mem>>) src(%arg6 : memref<4x12800xf32, #tpu.memory_space<vmem>>) dst(%dma_wait3A_477 : memref<4x12800xf32, #tpu.memory_space<hbm>>)
    %dma_wait3A_478 = arith.constant 0 : i32
    %dma_wait3A_479 = tpu.memref_slice %arg3[%add3A_239, %dma_wait3A_478] : memref<4096x12800xf32, #tpu.memory_space<hbm>> -> memref<4x12800xf32, #tpu.memory_space<hbm>>
    %dma_wait3A_480 = arith.constant 0 : i32
    %dma_wait3A_481 = tpu.memref_slice %arg3[%add3A_239, %dma_wait3A_480] : memref<4096x12800xf32, #tpu.memory_space<hbm>> -> memref<4x12800xf32, #tpu.memory_space<hbm>>
    tpu.wait_dma2 semaphore(%arg8 : memref<!tpu.dma_semaphore, #tpu.memory_space<semaphore_mem>>) src(%arg6 : memref<4x12800xf32, #tpu.memory_space<vmem>>) dst(%dma_wait3A_481 : memref<4x12800xf32, #tpu.memory_space<hbm>>)
    %dma_wait3A_482 = arith.constant 0 : i32
    %dma_wait3A_483 = tpu.memref_slice %arg3[%add3A_241, %dma_wait3A_482] : memref<4096x12800xf32, #tpu.memory_space<hbm>> -> memref<4x12800xf32, #tpu.memory_space<hbm>>
    %dma_wait3A_484 = arith.constant 0 : i32
    %dma_wait3A_485 = tpu.memref_slice %arg3[%add3A_241, %dma_wait3A_484] : memref<4096x12800xf32, #tpu.memory_space<hbm>> -> memref<4x12800xf32, #tpu.memory_space<hbm>>
    tpu.wait_dma2 semaphore(%arg8 : memref<!tpu.dma_semaphore, #tpu.memory_space<semaphore_mem>>) src(%arg6 : memref<4x12800xf32, #tpu.memory_space<vmem>>) dst(%dma_wait3A_485 : memref<4x12800xf32, #tpu.memory_space<hbm>>)
    %dma_wait3A_486 = arith.constant 0 : i32
    %dma_wait3A_487 = tpu.memref_slice %arg3[%add3A_243, %dma_wait3A_486] : memref<4096x12800xf32, #tpu.memory_space<hbm>> -> memref<4x12800xf32, #tpu.memory_space<hbm>>
    %dma_wait3A_488 = arith.constant 0 : i32
    %dma_wait3A_489 = tpu.memref_slice %arg3[%add3A_243, %dma_wait3A_488] : memref<4096x12800xf32, #tpu.memory_space<hbm>> -> memref<4x12800xf32, #tpu.memory_space<hbm>>
    tpu.wait_dma2 semaphore(%arg8 : memref<!tpu.dma_semaphore, #tpu.memory_space<semaphore_mem>>) src(%arg6 : memref<4x12800xf32, #tpu.memory_space<vmem>>) dst(%dma_wait3A_489 : memref<4x12800xf32, #tpu.memory_space<hbm>>)
    %dma_wait3A_490 = arith.constant 0 : i32
    %dma_wait3A_491 = tpu.memref_slice %arg3[%add3A_245, %dma_wait3A_490] : memref<4096x12800xf32, #tpu.memory_space<hbm>> -> memref<4x12800xf32, #tpu.memory_space<hbm>>
    %dma_wait3A_492 = arith.constant 0 : i32
    %dma_wait3A_493 = tpu.memref_slice %arg3[%add3A_245, %dma_wait3A_492] : memref<4096x12800xf32, #tpu.memory_space<hbm>> -> memref<4x12800xf32, #tpu.memory_space<hbm>>
    tpu.wait_dma2 semaphore(%arg8 : memref<!tpu.dma_semaphore, #tpu.memory_space<semaphore_mem>>) src(%arg6 : memref<4x12800xf32, #tpu.memory_space<vmem>>) dst(%dma_wait3A_493 : memref<4x12800xf32, #tpu.memory_space<hbm>>)
    %dma_wait3A_494 = arith.constant 0 : i32
    %dma_wait3A_495 = tpu.memref_slice %arg3[%add3A_247, %dma_wait3A_494] : memref<4096x12800xf32, #tpu.memory_space<hbm>> -> memref<4x12800xf32, #tpu.memory_space<hbm>>
    %dma_wait3A_496 = arith.constant 0 : i32
    %dma_wait3A_497 = tpu.memref_slice %arg3[%add3A_247, %dma_wait3A_496] : memref<4096x12800xf32, #tpu.memory_space<hbm>> -> memref<4x12800xf32, #tpu.memory_space<hbm>>
    tpu.wait_dma2 semaphore(%arg8 : memref<!tpu.dma_semaphore, #tpu.memory_space<semaphore_mem>>) src(%arg6 : memref<4x12800xf32, #tpu.memory_space<vmem>>) dst(%dma_wait3A_497 : memref<4x12800xf32, #tpu.memory_space<hbm>>)
    %dma_wait3A_498 = arith.constant 0 : i32
    %dma_wait3A_499 = tpu.memref_slice %arg3[%add3A_249, %dma_wait3A_498] : memref<4096x12800xf32, #tpu.memory_space<hbm>> -> memref<4x12800xf32, #tpu.memory_space<hbm>>
    %dma_wait3A_500 = arith.constant 0 : i32
    %dma_wait3A_501 = tpu.memref_slice %arg3[%add3A_249, %dma_wait3A_500] : memref<4096x12800xf32, #tpu.memory_space<hbm>> -> memref<4x12800xf32, #tpu.memory_space<hbm>>
    tpu.wait_dma2 semaphore(%arg8 : memref<!tpu.dma_semaphore, #tpu.memory_space<semaphore_mem>>) src(%arg6 : memref<4x12800xf32, #tpu.memory_space<vmem>>) dst(%dma_wait3A_501 : memref<4x12800xf32, #tpu.memory_space<hbm>>)
    %dma_wait3A_502 = arith.constant 0 : i32
    %dma_wait3A_503 = tpu.memref_slice %arg3[%add3A_251, %dma_wait3A_502] : memref<4096x12800xf32, #tpu.memory_space<hbm>> -> memref<4x12800xf32, #tpu.memory_space<hbm>>
    %dma_wait3A_504 = arith.constant 0 : i32
    %dma_wait3A_505 = tpu.memref_slice %arg3[%add3A_251, %dma_wait3A_504] : memref<4096x12800xf32, #tpu.memory_space<hbm>> -> memref<4x12800xf32, #tpu.memory_space<hbm>>
    tpu.wait_dma2 semaphore(%arg8 : memref<!tpu.dma_semaphore, #tpu.memory_space<semaphore_mem>>) src(%arg6 : memref<4x12800xf32, #tpu.memory_space<vmem>>) dst(%dma_wait3A_505 : memref<4x12800xf32, #tpu.memory_space<hbm>>)
    %dma_wait3A_506 = arith.constant 0 : i32
    %dma_wait3A_507 = tpu.memref_slice %arg3[%add3A_253, %dma_wait3A_506] : memref<4096x12800xf32, #tpu.memory_space<hbm>> -> memref<4x12800xf32, #tpu.memory_space<hbm>>
    %dma_wait3A_508 = arith.constant 0 : i32
    %dma_wait3A_509 = tpu.memref_slice %arg3[%add3A_253, %dma_wait3A_508] : memref<4096x12800xf32, #tpu.memory_space<hbm>> -> memref<4x12800xf32, #tpu.memory_space<hbm>>
    tpu.wait_dma2 semaphore(%arg8 : memref<!tpu.dma_semaphore, #tpu.memory_space<semaphore_mem>>) src(%arg6 : memref<4x12800xf32, #tpu.memory_space<vmem>>) dst(%dma_wait3A_509 : memref<4x12800xf32, #tpu.memory_space<hbm>>)
    return
  }
}

</mosaic_0001>

<sc_bundles>
// kernel: kernel.4.cloned.1.call-start
scs
__scs_entry_jumppad:
0x0: {  	(pc) =	sbr.rel $0x88, $3  }
0x1: {  	(tag) =	ssettag $0x0;
	lr =	simm.s32 $0x1  }
0x2: {  	[smem:$0x3FA0] =	sst lr;
	_ =	strace $0xD0000000  }
0x3: {  	_ = 	snop  }
0x4: {  	_ = 	snop  }
0x5: {  	_ = 	snop  }
0x6: {  	_ = 	snop  }
0x7: {  	_ = 	snop  }
__scs_overlays_trampoline_lowered:
0x8: {  	[smem:$0x3FAF] =	sst s0  }
0x9: {  	[smem:$0x3FB0] =	sst s1  }
0xa: {  	[smem:$0x3FB1] =	sst s2  }
0xb: {  	[smem:$0x3FB2] =	sst s3  }
0xc: {  	[smem:$0x3FB3] =	sst s4  }
0xd: {  	[smem:$0x3FB4] =	sst s5  }
0xe: {  	[smem:$0x3FB5] =	sst s6  }
0xf: {  	[smem:$0x3FB6] =	sst s7  }
0x10: {  	[smem:$0x3FB7] =	sst s8  }
0x11: {  	[smem:$0x3FB8] =	sst s9;
	s0 =	simm.s32 @!p0 $0x0  }
0x12: {  	s1 =	sld [smem:$0x3F9E];
	s0 =	simm.s32 @p0 $0x1  }
0x13: {  	[smem:$0x3FB9] =	sst s0;
	s0 =	simm.s32 @!p1 $0x0  }
0x14: {  	s2 =	sld [smem:$0x3F9D];
	s0 =	simm.s32 @p1 $0x1  }
0x15: {  	[smem:$0x3FBA] =	sst s0;
	s0 =	simm.s32 @!p2 $0x0  }
0x16: {  	s3 =	sld [smem:$0x3FDB];
	s0 =	simm.s32 @p2 $0x1  }
0x17: {  	s4 =	simm.s32 $0x1BF5;
	[smem:$0x3FBC] =	sst s0  }
0x18: {  	s0 =	sld [smem:$0x3F9F];
	_ =	swait.ge [sflag:s4], $0x0  }
0x19: {  	s7 =	sld [smem:$0x3FA0]  }
0x1a: {  	s8 =	sadd.s32 $0xFFFFE003, lr  }
0x1b: {  	s9 =	sadd.s32 $0xFFFFFEF7, lr;
	s5 =	simm.s32 $0xFFFFFFFF;
	p2 =	slt.u32 s8, $0xFFFFF086  }
0x1c: {  	p1 =	slt.u32 s9, $0xF7A;
	s5 =	simm.s32 @!p2 $0x0  }
0x1d: {  	s5 =	simm.s32 @p1 $0x1;
	p0 =	seq.s32 s7, s2  }
0x1e: {  	s7 =	smul.u32 @!p0 $0xF7A, s2;
	p2 =	seq.s32 @!p0 s5, $0x0  }
0x1f: {  	s9 =	smul.u32 $0xF7A, s1;
	s8 =	simm.s32 @!p0 $0x1BF5;
	p2 =	por !p2, p0  }
0x20: {  	[sflag:s8] =	ssyncset.s32 @!p0 $0xFFFFF086;
	s6 =	sadd.s32 @!p0 s3, s7;
	s7 =	simm.s32 @!p0 $0x108  }
0x21: {  	s3 =	sadd.s32 s3, s9;
	s6 =	sadd.s32 @!p0 $0x88, s6;
	s7 =	simm.s32 @p2 $0x1082  }
0x22: {  	[simem:s7], [sflag:s8] =	dma.local @!p0 [hbm:s6], $0xF7A  }
0x23: {  	s9 =	sor.u32 $0xD0000000, s2;
	s6 =	simm.s32 $0x108;
	_ =	swait.ge @!p0 [sflag:s8], $0x0  }
0x24: {  	s3 =	sadd.s32 $0x88, s3;
	s6 =	simm.s32 @!p1 $0x1082;
	[sflag:s4] =	ssyncset.s32 $0xFFFFF086  }
0x25: {  	[simem:s6], [sflag:s4] =	dma.local [hbm:s3], $0xF7A  }
0x26: {  	[smem:$0x3FA0] =	sst s1;
	(tag) =	ssettag s2;
	_ =	strace s9  }
0x27: {  	s1 =	sld [smem:$0x3FB0]  }
0x28: {  	s2 =	sld [smem:$0x3FB1]  }
0x29: {  	s4 =	sld [smem:$0x3FB3]  }
0x2a: {  	p0 =	seq.s32 s5, $0x0;
	s5 =	sld [smem:$0x3FB4]  }
0x2b: {  	s6 =	sld [smem:$0x3FB5]  }
0x2c: {  	s7 =	sld [smem:$0x3FB6]  }
0x2d: {  	s3 =	simm.s32 $0x108;
	s8 =	sld [smem:$0x3FB7]  }
0x2e: {  	s3 =	simm.s32 @!p0 $0x1082;
	s9 =	sld [smem:$0x3FB8]  }
0x2f: {  	lr =	sadd.s32 s0, s3;
	s0 =	sld [smem:$0x3FAF]  }
0x30: {  	s3 =	sld [smem:$0x3FB2]  }
0x31: {  	[smem:$0x3FBB] =	sst s10  }
0x32: {  	s10 =	sld [smem:$0x3FB9];
	_ =	sdelay $0x3  }
0x33: {  	p0 =	seq.s32 s10, $0x1;
	s10 =	sld [smem:$0x3FBB];
	_ =	sdelay $0x3  }
0x34: {  	[smem:$0x3FBB] =	sst s10  }
0x35: {  	s10 =	sld [smem:$0x3FBA];
	_ =	sdelay $0x3  }
0x36: {  	p1 =	seq.s32 s10, $0x1;
	s10 =	sld [smem:$0x3FBB];
	_ =	sdelay $0x3  }
0x37: {  	[smem:$0x3FBB] =	sst s10  }
0x38: {  	s10 =	sld [smem:$0x3FBC]  }
0x39: {  	_ = 	snop;
	(pc) =	sbr.ind lr, $3  }
0x3a: {  	_ = 	snop  }
0x3b: {  	_ = 	snop  }
0x3c: {  	p2 =	seq.s32 s10, $0x1;
	s10 =	sld [smem:$0x3FBB]  }
0x3d: {  	_ =	shalt  }
0x3e: {  	_ =	shalt  }
0x3f: {  	_ =	shalt  }
0x40: {  	_ =	shalt  }
0x41: {  	_ =	shalt  }
0x42: {  	_ =	shalt  }
0x43: {  	_ =	shalt  }
0x44: {  	_ =	shalt  }
0x45: {  	_ =	shalt  }
0x46: {  	_ =	shalt  }
0x47: {  	_ =	shalt  }
0x48: {  	_ =	shalt  }
0x49: {  	_ =	shalt  }
0x4a: {  	_ =	shalt  }
0x4b: {  	_ =	shalt  }
0x4c: {  	_ =	shalt  }
0x4d: {  	_ =	shalt  }
0x4e: {  	_ =	shalt  }
0x4f: {  	_ =	shalt  }
0x50: {  	_ =	shalt  }
0x51: {  	_ =	shalt  }
0x52: {  	_ =	shalt  }
0x53: {  	_ =	shalt  }
0x54: {  	_ =	shalt  }
0x55: {  	_ =	shalt  }
0x56: {  	_ =	shalt  }
0x57: {  	_ =	shalt  }
0x58: {  	_ =	shalt  }
0x59: {  	_ =	shalt  }
0x5a: {  	_ =	shalt  }
0x5b: {  	_ =	shalt  }
0x5c: {  	_ =	shalt  }
0x5d: {  	_ =	shalt  }
0x5e: {  	_ =	shalt  }
0x5f: {  	_ =	shalt  }
0x60: {  	_ =	shalt  }
0x61: {  	_ =	shalt  }
0x62: {  	_ =	shalt  }
0x63: {  	_ =	shalt  }
0x64: {  	_ =	shalt  }
0x65: {  	_ =	shalt  }
0x66: {  	_ =	shalt  }
0x67: {  	_ =	shalt  }
0x68: {  	_ =	shalt  }
0x69: {  	_ =	shalt  }
0x6a: {  	_ =	shalt  }
0x6b: {  	_ =	shalt  }
0x6c: {  	_ =	shalt  }
0x6d: {  	_ =	shalt  }
0x6e: {  	_ =	shalt  }
0x6f: {  	_ =	shalt  }
0x70: {  	_ =	shalt  }
0x71: {  	_ =	shalt  }
0x72: {  	_ =	shalt  }
0x73: {  	_ =	shalt  }
0x74: {  	_ =	shalt  }
0x75: {  	_ =	shalt  }
0x76: {  	_ =	shalt  }
0x77: {  	_ =	shalt  }
0x78: {  	_ =	shalt  }
0x79: {  	_ =	shalt  }
0x7a: {  	_ =	shalt  }
0x7b: {  	_ =	shalt  }
0x7c: {  	_ =	shalt  }
0x7d: {  	_ =	shalt  }
0x7e: {  	_ =	shalt  }
0x7f: {  	_ =	shalt  }
0x80: {  	_ =	shalt  }
0x81: {  	_ =	shalt  }
0x82: {  	_ =	shalt  }
0x83: {  	_ =	shalt  }
0x84: {  	_ =	shalt  }
0x85: {  	_ =	shalt  }
0x86: {  	_ =	shalt  }
0x87: {  	_ =	shalt  }
.Lfunc_end0:
.L_simem_size_0:
called_computation_lowered:
.L_overlay_start_0:
0x88: {  	s2 =	sld [smem:$0x3FD9]  }
0x89: {  	s3 =	sld [smem:$0x3FFE];
	_ =	sdelay $0x1  }
0x8a: {  	s1 =	srdreg.scid  }
0x8b: {  	s0 =	sand.u32 $0x1, s1  }
0x8c: {  	s17 =	sshll.u32 s0, $0xA;
	s2 =	sadd.s32 s3, s2  }
0x8d: {  	s2 =	sadd.s32 s2, s17  }
0x8e: {  	[smem:$0x3FC7] =	sst s2  }
0x8f: {  	_ = 	snop  }
0x90: {  	s2 =	sld [smem:$0x3FD0];
	(tm) =	ssettm $0x1  }
0x91: {  	s18 =	sld [smem:$0x3FFB];
	_ =	sdelay $0x3  }
0x92: {  	_ =	strace s18  }
0x93: {  	s3 =	sld [smem:$0x3FFC];
	_ =	sdelay $0x3  }
0x94: {  	_ =	strace s3  }
0x95: {  	s3 =	sld [smem:$0x3FFD];
	_ =	sdelay $0x3  }
0x96: {  	_ =	strace s3  }
0x97: {  	_ =	strace $0x8FFFFFFF  }
0x98: {  	s19 =	sld [smem:$0x3FDB];
	_ =	sdelay $0x1  }
0x99: {  	s4 =	simm.s32 $_scs_section_size  }
0x9a: {  	s5 =	simm.s32 $_size__tile_overlayer_lowered;
	s6 =	simm.s32 $_tile_overlayer_lowered  }
0x9b: {  	s22 =	simm.s32 $0x1BFF;
	s21 =	sshll.u32 s6, $0x1;
	s3 =	sadd.s32 s4, s19  }
0x9c: {  	s7 =	simm.s32 $0x0;
	s20 =	sshll.u32 s5, $0x1;
	s5 =	sadd.s32 s21, s3  }
0x9d: {  	[timem:s7], [sflag:s22] =	dma.local [hbm:s5], s20  }
0x9e: {  	_ =	swait.ge [sflag:s22], s20  }
0x9f: {  	s4 =	ssub.s32 $0x0, s20;
	[sflag:s22] =	ssyncset.done $0x0  }
0xa0: {  	[sflag:s22] =	ssyncadd.s32 s4;
	_ =	sdelay $0x1  }
0xa1: {  	s23 =	simm.s32 $0x1B8B  }
0xa2: {  	_ =	swait.ge [sflag:s23], $0x1  }
0xa3: {  	[sflag:s23] =	ssyncset.done $0x0  }
0xa4: {  	s25 =	simm.s32 $0x1B8E;
	s24 =	sld [smem:$0x3FFE];
	[sflag:s23] =	ssyncadd.s32 $0xFFFFFFFF  }
0xa5: {  	s26 =	simm.s32 $execute0_lowered;
	[smem:$0x3FD2] =	sst s25  }
0xa6: {  	s5 =	sshll.u32 s26, $0x1;
	_ =	strace $0x80000046;
	[dreg:$0x1] =	wrdreg $0xFFFFFFFF  }
0xa7: {  	s28 =	simm.s32 $_size_execute0_lowered;
	s3 =	sadd.s32 s3, s5;
	[dreg:$0x0] =	wrdreg $0x0  }
0xa8: {  	s5 =	sshll.u32 s28, $0x1;
	[dreg:$0x2] =	wrdreg s3  }
0xa9: {  	[dreg:$0x3] =	wrdreg s5  }
0xaa: {  	[dreg:$0x4] =	wrdreg $0xC0  }
0xab: {  	_ =	task [dreg:s7], $0x5FFFF  }
0xac: {  	[dreg:$0x1] =	wrdreg $0xFFFFFFFF  }
0xad: {  	[dreg:$0x0] =	wrdreg $0x60  }
0xae: {  	[dreg:$0x2] =	wrdreg s2  }
0xaf: {  	[dreg:$0x3] =	wrdreg s24  }
0xb0: {  	[dreg:$0x4] =	wrdreg $0x9  }
0xb1: {  	_ =	task.clear_ibuf [dreg:s7], $0x5FFFF;
	_ =	strace $0x90000046  }
0xb2: {  	s29 =	simm.s32 $0x9;
	_ =	strace $0x80000048  }
0xb3: {  	_ =	swait.ge [sflag:s29], $0x1  }
0xb4: {  	[sflag:s29] =	ssyncadd.s32 $0xFFFFFFFF  }
0xb5: {  	_ =	strace $0x90000048  }
0xb6: {  	_ =	sfence  }
0xb7: {  	s30 =	sld [smem:$0x0];
	_ =	sdelay $0x2  }
0xb8: {  	s31 =	sshll.u32 s1, $0xD;
	s1 =	sshrl.u32 s1, $0x2  }
0xb9: {  	s3 =	sand.u32 $0x4000, s31;
	s1 =	sadd.s32 s1, s30  }
0xba: {  	s0 =	sor.u32 s3, s0;
	s1 =	sshll.u32 s1, $0x11  }
0xbb: {  	s0 =	sor.u32 s1, s0  }
0xbc: {  	s0 =	sadd.s32 $0x8F2B, s0  }
0xbd: {  	[sflag:s0] =	ssyncadd.remote.s32 $0x1  }
0xbe: {  	_ =	sfence.sel $0xFFFF  }
0xbf: {  	[dreg:$0x0] =	wrdreg $0xFFFFFFFF;
	(pc) =	sbr.abs _section_cstart, $3  }
0xc0: {  	[dreg:$0x1] =	wrdreg $0xFFFFFFFF  }
0xc1: {  	_ =	task.clear_ibuf [dreg:s7], $0x2FFFF;
	_ =	strace $0x9FFFFFFF  }
0xc2: {  	(tm) =	ssettm $0x7FFFFFFF  }
0xc3: {  	_ =	shalt  }
tec
execute0_lowered:
.L_overlay_start_1:
0x0: {  	(tag) =	ssettag $0x1  }
0x1: {  	s0 =	srdreg.scid  }
0x2: {  	s1 =	stileid.u32;
	s0 =	sand.u32 $0x1, s0  }
0x3: {  	s1 =	sshll.u32 s1, $0x5;
	s2 =	sshll.u32 s0, $0x4  }
0x4: {  	s1 =	sor.u32 s2, s1  }
0x5: {  	s2 =	smul.u32 $0x19000, s1  }
0x6: {  	s4 =	rddreg [dreg:$0x1]  }
0x7: {  	s4 =	sadd.s32 $0x400, s4;
	s2 =	sshrl.u32 s2, $0x3  }
0x8: {  	s3 =	simm.s32 $0x0;
	s6 =	sadd.s32 s4, s2  }
0x9: {  	[smem:$0x7FF] =	sst s3;
	s8 =	sadd.s32 $0x3200, s6  }
0xa: {  	_ =	strace $0x80000047;
	s9 =	sadd.s32 $0x3240, s6;
	[dreg:$0x3] =	wrdreg s8  }
0xb: {  	s10 =	sadd.s32 $0x6400, s6;
	[dreg:$0x4] =	wrdreg s9  }
0xc: {  	s11 =	sadd.s32 $0x6440, s6;
	[dreg:$0x5] =	wrdreg s10  }
0xd: {  	s12 =	sadd.s32 $0x9600, s6;
	[dreg:$0x6] =	wrdreg s11  }
0xe: {  	s13 =	sadd.s32 $0x9640, s6;
	[dreg:$0x7] =	wrdreg s12  }
0xf: {  	s14 =	sadd.s32 $0xC800, s6;
	[dreg:$0x8] =	wrdreg s13  }
0x10: {  	s15 =	sadd.s32 $0xC840, s6;
	[dreg:$0x9] =	wrdreg s14  }
0x11: {  	s0 =	ssub.s32 $0x2, s0;
	s16 =	sadd.s32 $0xFA00, s6;
	[dreg:$0xa] =	wrdreg s15  }
0x12: {  	s5 =	sshrl.u32 s0, $0x1;
	s17 =	sadd.s32 $0xFA40, s6;
	[dreg:$0xb] =	wrdreg s16  }
0x13: {  	s1 =	smul.u32 $0x3200, s1;
	s18 =	sadd.s32 $0x12C00, s6;
	[dreg:$0xc] =	wrdreg s17  }
0x14: {  	s7 =	ssub.s32 s0, s5;
	s19 =	sadd.s32 $0x12C40, s6;
	[dreg:$0xd] =	wrdreg s18  }
0x15: {  	s4 =	sadd.s32 s4, s1;
	s20 =	sadd.s32 $0x15E00, s6;
	[dreg:$0xe] =	wrdreg s19  }
0x16: {  	s21 =	sadd.s32 $0x15E40, s6;
	s22 =	sadd.s32 $0x19000, s6;
	[dreg:$0xf] =	wrdreg s20  }
0x17: {  	s23 =	sadd.s32 $0x19040, s6;
	s24 =	sadd.s32 $0x1C200, s6;
	[dreg:$0x10] =	wrdreg s21  }
0x18: {  	s25 =	sadd.s32 $0x1C240, s6;
	s26 =	sadd.s32 $0x1F400, s6;
	[dreg:$0x11] =	wrdreg s22  }
0x19: {  	s28 =	sadd.s32 $0x25800, s6;
	s29 =	sadd.s32 $0x25840, s6;
	[dreg:$0x12] =	wrdreg s23  }
0x1a: {  	s30 =	sadd.s32 $0x28A00, s6;
	s31 =	sadd.s32 $0x28A40, s6;
	[dreg:$0x13] =	wrdreg s24  }
0x1b: {  	s1 =	sadd.s32 $0x2BC00, s6;
	s0 =	sadd.s32 $0x2BC40, s6;
	[dreg:$0x14] =	wrdreg s25  }
0x1c: {  	s2 =	sadd.s32 $0x2EE00, s6;
	s5 =	sadd.s32 $0x2EE40, s6;
	[dreg:$0x15] =	wrdreg s26  }
0x1d: {  	s24 =	sadd.s32 $0x1F440, s6;
	s25 =	sadd.s32 $0x22600, s6;
	s26 =	sadd.s32 $0x22640, s6  }
0x1e: {  	s6 =	smax.u32 s7, $0x1;
	s23 =	smov.u32 s4;
	s7 =	sadd.s32 $0x40, s4  }
0x1f: {  	s8 =	simm.s32 $0x1;
	s9 =	simm.s32 $0x200;
	s10 =	simm.s32 $0x400  }
0x20: {  	v0 =	vimm.s32 $0xC8;
	s11 =	simm.s32 $0x6900;
	s12 =	simm.s32 $0x2;
	s13 =	simm.s32 $0x0  }
.LBB2_1:
0x21: {  	[tilespmem:$0x0] =	vst v0  }
0x22: {  	[tilespmem:$0x10] =	vst v0  }
0x23: {  	[tilespmem:$0x20] =	vst v0  }
0x24: {  	[tilespmem:$0x30] =	vst v0  }
0x25: {  	[tilespmem:$0x40] =	vst v0  }
0x26: {  	[tilespmem:$0x50] =	vst v0  }
0x27: {  	[tilespmem:$0x60] =	vst v0  }
0x28: {  	[tilespmem:$0x70] =	vst v0  }
0x29: {  	[tilespmem:$0x80] =	vst v0  }
0x2a: {  	[tilespmem:$0x90] =	vst v0  }
0x2b: {  	[tilespmem:$0xA0] =	vst v0  }
0x2c: {  	[tilespmem:$0xB0] =	vst v0  }
0x2d: {  	[tilespmem:$0xC0] =	vst v0;
	s4 =	rddreg [dreg:$0x0];
	s14 =	simm.s32 $0xD0;
	s15 =	simm.s32 $0x100  }
0x2e: {  	[tilespmem:s15], [sflag:$0x1] =	stream.indirect.gather [hbm4b:s4+s14], $0x80, s3, s14, $0xb8;
	[tilespmem:$0x13100] =	vst v63  }
0x2f: {  	_ =	swait.ge [sflag:s8], $0x6800  }
0x30: {  	[sflag:s8] =	ssyncset.done $0x0  }
0x31: {  	s14 =	simm.s32 $0x120;
	[sflag:s8] =	ssyncadd.s32 $0xFFFF9800  }
0x32: {  	v1 =	vld [tilespmem:s14+$0xFFFFFFE0];
	_ =	sdelay $0x1  }
0x33: {  	p0 =	por $0x0, $0x0;
	s4 =	simm.s32 $0x1  }
0x34: {  	s22 =	sand.u32 $0x40, s3;
	s16 =	sand.u32 $0xFE00, s3;
	s4 =	simm.s32 @!p0 $0x0  }
0x35: {  	s17 =	sshll.u32 s4, $0x6;
	s4 =	sor.u32 s22, s16  }
0x36: {  	s16 =	sadd.s32 $0x0, s17;
	[tilespmem:s4+$0x6900] =	vst v1  }
0x37: {  	s18 =	sor.u32 $0x100, s16;
	[tilespmem:s4+$0x6980] =	vst v1  }
0x38: {  	s17 =	sor.u32 $0x180, s16;
	[tilespmem:s18+$0x6900] =	vst v1  }
0x39: {  	[tilespmem:s17+$0x6900] =	vst v1  }
0x3a: {  	v1 =	vld [tilespmem:s14+$0xFFFFFFF0];
	_ =	sdelay $0x4  }
0x3b: {  	s19 =	sadd.s32 $0x10, s16;
	[tilespmem:s4+$0x6910] =	vst v1  }
0x3c: {  	s20 =	sor.u32 $0x100, s19;
	[tilespmem:s4+$0x6990] =	vst v1  }
0x3d: {  	s15 =	sor.u32 $0x180, s19;
	[tilespmem:s20+$0x6900] =	vst v1  }
0x3e: {  	[tilespmem:s15+$0x6900] =	vst v1  }
0x3f: {  	v1 =	vld [tilespmem:s14+$0x0];
	_ =	sdelay $0x4  }
0x40: {  	s21 =	sadd.s32 $0x20, s16;
	[tilespmem:s4+$0x6920] =	vst v1  }
0x41: {  	s22 =	sor.u32 $0x100, s21;
	[tilespmem:s4+$0x69A0] =	vst v1  }
0x42: {  	s18 =	sor.u32 $0x180, s21;
	[tilespmem:s22+$0x6900] =	vst v1  }
0x43: {  	[tilespmem:s18+$0x6900] =	vst v1  }
0x44: {  	v1 =	vld [tilespmem:s14+$0x10]  }
0x45: {  	s16 =	sadd.s32 $0x30, s16  }
0x46: {  	s17 =	sor.u32 $0x100, s16  }
0x47: {  	s15 =	simm.s32 $0x100;
	s18 =	sor.u32 $0x180, s16;
	s16 =	simm.s32 $0x0  }
.LBB2_2:
0x48: {  	p0 =	por !p0, !p0;
	s16 =	sadd.s32 $0x40, s16;
	s14 =	sadd.s32 $0x80, s14  }
0x49: {  	p1 =	sne.s32 s15, $0xC700;
	s19 =	smov.u32 s15;
	s15 =	sadd.s32 $0x100, s15;
	[tilespmem:s4+$0x6930] =	vst v1  }
0x4a: {  	[tilespmem:s4+$0x69B0] =	vst v1  }
0x4b: {  	[tilespmem:s17+$0x6900] =	vst v1  }
0x4c: {  	[tilespmem:s18+$0x6900] =	vst v1  }
0x4d: {  	v1 =	vld [tilespmem:s14+$0xFFFFFFE0]  }
0x4e: {  	s4 =	simm.s32 $0x1  }
0x4f: {  	s4 =	simm.s32 @!p0 $0x0  }
0x50: {  	s17 =	sshll.u32 s4, $0x6;
	s4 =	sand.u32 $0x40, s16;
	s18 =	sand.u32 $0xFE00, s19  }
0x51: {  	s4 =	sor.u32 s4, s18;
	s17 =	sadd.s32 s17, s19  }
0x52: {  	s18 =	sor.u32 $0x100, s17;
	s19 =	sadd.s32 $0x10, s17;
	s20 =	sadd.s32 $0x20, s17;
	[tilespmem:s4+$0x6900] =	vst v1  }
0x53: {  	s21 =	sor.u32 $0x180, s17;
	s22 =	sadd.s32 $0x30, s17;
	[tilespmem:s4+$0x6980] =	vst v1  }
0x54: {  	[tilespmem:s18+$0x6900] =	vst v1  }
0x55: {  	[tilespmem:s21+$0x6900] =	vst v1  }
0x56: {  	v1 =	vld [tilespmem:s14+$0xFFFFFFF0];
	_ =	sdelay $0x3  }
0x57: {  	s17 =	sor.u32 $0x100, s19  }
0x58: {  	s18 =	sor.u32 $0x180, s19;
	[tilespmem:s4+$0x6910] =	vst v1  }
0x59: {  	[tilespmem:s4+$0x6990] =	vst v1  }
0x5a: {  	[tilespmem:s17+$0x6900] =	vst v1  }
0x5b: {  	[tilespmem:s18+$0x6900] =	vst v1  }
0x5c: {  	v1 =	vld [tilespmem:s14+$0x0];
	_ =	sdelay $0x2  }
0x5d: {  	s17 =	sor.u32 $0x100, s20  }
0x5e: {  	s18 =	sor.u32 $0x180, s20  }
0x5f: {  	[tilespmem:s4+$0x6920] =	vst v1  }
0x60: {  	[tilespmem:s4+$0x69A0] =	vst v1  }
0x61: {  	[tilespmem:s17+$0x6900] =	vst v1  }
.Ltmp0:
0x62: {  	[tilespmem:s18+$0x6900] =	vst v1;
	(pc) =	sbr.rel @p1 .LBB2_2-.Ltmp0, $3  }
0x63: {  	v1 =	vld [tilespmem:s14+$0x10];
	_ =	sdelay $0x1  }
0x64: {  	s17 =	sor.u32 $0x100, s22  }
0x65: {  	s18 =	sor.u32 $0x180, s22  }
0x66: {  	_ = 	snop  }
0x67: {  	[tilespmem:s4+$0x6930] =	vst v1  }
0x68: {  	[tilespmem:s4+$0x69B0] =	vst v1  }
0x69: {  	[tilespmem:s17+$0x6900] =	vst v1  }
0x6a: {  	[tilespmem:s18+$0x6900] =	vst v1  }
0x6b: {  	[hbm4b:s23+s9] =	stream.strided.scatter [tilespmem:s11], [sflag:$0x2], $0xC800, s10, s9, $0x38;
	[tilespmem:$0x13100] =	vst v63  }
0x6c: {  	_ = 	snop  }
0x6d: {  	[hbm4b:s7+s9] =	stream.strided.scatter [tilespmem:s11], [sflag:$0x2], $0xC800, s10, s9, $0x38;
	[tilespmem:$0x13100] =	vst v63  }
0x6e: {  	s22 =	rddreg [dreg:$0x3]  }
0x6f: {  	[hbm4b:s22+s9] =	stream.strided.scatter [tilespmem:s11], [sflag:$0x2], $0xC800, s10, s9, $0x38;
	[tilespmem:$0x13100] =	vst v63  }
0x70: {  	s14 =	rddreg [dreg:$0x4]  }
0x71: {  	[hbm4b:s14+s9] =	stream.strided.scatter [tilespmem:s11], [sflag:$0x2], $0xC800, s10, s9, $0x38;
	[tilespmem:$0x13100] =	vst v63  }
0x72: {  	s15 =	rddreg [dreg:$0x5]  }
0x73: {  	[hbm4b:s15+s9] =	stream.strided.scatter [tilespmem:s11], [sflag:$0x2], $0xC800, s10, s9, $0x38;
	[tilespmem:$0x13100] =	vst v63  }
0x74: {  	s16 =	rddreg [dreg:$0x6]  }
0x75: {  	[hbm4b:s16+s9] =	stream.strided.scatter [tilespmem:s11], [sflag:$0x2], $0xC800, s10, s9, $0x38;
	[tilespmem:$0x13100] =	vst v63  }
0x76: {  	s17 =	rddreg [dreg:$0x7]  }
0x77: {  	[hbm4b:s17+s9] =	stream.strided.scatter [tilespmem:s11], [sflag:$0x2], $0xC800, s10, s9, $0x38;
	[tilespmem:$0x13100] =	vst v63  }
0x78: {  	s18 =	rddreg [dreg:$0x8]  }
0x79: {  	[hbm4b:s18+s9] =	stream.strided.scatter [tilespmem:s11], [sflag:$0x2], $0xC800, s10, s9, $0x38;
	[tilespmem:$0x13100] =	vst v63  }
0x7a: {  	s19 =	rddreg [dreg:$0x9]  }
0x7b: {  	[hbm4b:s19+s9] =	stream.strided.scatter [tilespmem:s11], [sflag:$0x2], $0xC800, s10, s9, $0x38;
	[tilespmem:$0x13100] =	vst v63  }
0x7c: {  	s20 =	rddreg [dreg:$0xa]  }
0x7d: {  	[hbm4b:s20+s9] =	stream.strided.scatter [tilespmem:s11], [sflag:$0x2], $0xC800, s10, s9, $0x38;
	[tilespmem:$0x13100] =	vst v63  }
0x7e: {  	s21 =	rddreg [dreg:$0xb]  }
0x7f: {  	[hbm4b:s21+s9] =	stream.strided.scatter [tilespmem:s11], [sflag:$0x2], $0xC800, s10, s9, $0x38;
	[tilespmem:$0x13100] =	vst v63  }
0x80: {  	s22 =	rddreg [dreg:$0xc]  }
0x81: {  	[hbm4b:s22+s9] =	stream.strided.scatter [tilespmem:s11], [sflag:$0x2], $0xC800, s10, s9, $0x38;
	[tilespmem:$0x13100] =	vst v63  }
0x82: {  	s14 =	rddreg [dreg:$0xd]  }
0x83: {  	[hbm4b:s14+s9] =	stream.strided.scatter [tilespmem:s11], [sflag:$0x2], $0xC800, s10, s9, $0x38;
	[tilespmem:$0x13100] =	vst v63  }
0x84: {  	s15 =	rddreg [dreg:$0xe]  }
0x85: {  	[hbm4b:s15+s9] =	stream.strided.scatter [tilespmem:s11], [sflag:$0x2], $0xC800, s10, s9, $0x38;
	[tilespmem:$0x13100] =	vst v63  }
0x86: {  	s16 =	rddreg [dreg:$0xf]  }
0x87: {  	[hbm4b:s16+s9] =	stream.strided.scatter [tilespmem:s11], [sflag:$0x2], $0xC800, s10, s9, $0x38;
	[tilespmem:$0x13100] =	vst v63  }
0x88: {  	s17 =	rddreg [dreg:$0x10]  }
0x89: {  	[hbm4b:s17+s9] =	stream.strided.scatter [tilespmem:s11], [sflag:$0x2], $0xC800, s10, s9, $0x38;
	[tilespmem:$0x13100] =	vst v63  }
0x8a: {  	s18 =	rddreg [dreg:$0x11]  }
0x8b: {  	[hbm4b:s18+s9] =	stream.strided.scatter [tilespmem:s11], [sflag:$0x2], $0xC800, s10, s9, $0x38;
	[tilespmem:$0x13100] =	vst v63  }
0x8c: {  	s19 =	rddreg [dreg:$0x12]  }
0x8d: {  	[hbm4b:s19+s9] =	stream.strided.scatter [tilespmem:s11], [sflag:$0x2], $0xC800, s10, s9, $0x38;
	[tilespmem:$0x13100] =	vst v63  }
0x8e: {  	s20 =	rddreg [dreg:$0x13]  }
0x8f: {  	[hbm4b:s20+s9] =	stream.strided.scatter [tilespmem:s11], [sflag:$0x2], $0xC800, s10, s9, $0x38;
	[tilespmem:$0x13100] =	vst v63  }
0x90: {  	s21 =	rddreg [dreg:$0x14]  }
0x91: {  	[hbm4b:s21+s9] =	stream.strided.scatter [tilespmem:s11], [sflag:$0x2], $0xC800, s10, s9, $0x38;
	[tilespmem:$0x13100] =	vst v63  }
0x92: {  	s22 =	rddreg [dreg:$0x15]  }
0x93: {  	[hbm4b:s22+s9] =	stream.strided.scatter [tilespmem:s11], [sflag:$0x2], $0xC800, s10, s9, $0x38;
	[tilespmem:$0x13100] =	vst v63  }
0x94: {  	_ = 	snop  }
0x95: {  	[hbm4b:s24+s9] =	stream.strided.scatter [tilespmem:s11], [sflag:$0x2], $0xC800, s10, s9, $0x38;
	[tilespmem:$0x13100] =	vst v63  }
0x96: {  	_ = 	snop  }
0x97: {  	[hbm4b:s25+s9] =	stream.strided.scatter [tilespmem:s11], [sflag:$0x2], $0xC800, s10, s9, $0x38;
	[tilespmem:$0x13100] =	vst v63  }
0x98: {  	_ = 	snop  }
0x99: {  	[hbm4b:s26+s9] =	stream.strided.scatter [tilespmem:s11], [sflag:$0x2], $0xC800, s10, s9, $0x38;
	[tilespmem:$0x13100] =	vst v63  }
0x9a: {  	_ = 	snop  }
0x9b: {  	[hbm4b:s28+s9] =	stream.strided.scatter [tilespmem:s11], [sflag:$0x2], $0xC800, s10, s9, $0x38;
	[tilespmem:$0x13100] =	vst v63  }
0x9c: {  	_ = 	snop  }
0x9d: {  	[hbm4b:s29+s9] =	stream.strided.scatter [tilespmem:s11], [sflag:$0x2], $0xC800, s10, s9, $0x38;
	[tilespmem:$0x13100] =	vst v63  }
0x9e: {  	_ = 	snop  }
0x9f: {  	[hbm4b:s30+s9] =	stream.strided.scatter [tilespmem:s11], [sflag:$0x2], $0xC800, s10, s9, $0x38;
	[tilespmem:$0x13100] =	vst v63  }
0xa0: {  	_ = 	snop  }
0xa1: {  	[hbm4b:s31+s9] =	stream.strided.scatter [tilespmem:s11], [sflag:$0x2], $0xC800, s10, s9, $0x38;
	[tilespmem:$0x13100] =	vst v63  }
0xa2: {  	_ = 	snop  }
0xa3: {  	[hbm4b:s1+s9] =	stream.strided.scatter [tilespmem:s11], [sflag:$0x2], $0xC800, s10, s9, $0x38;
	[tilespmem:$0x13100] =	vst v63  }
0xa4: {  	_ = 	snop  }
0xa5: {  	[hbm4b:s0+s9] =	stream.strided.scatter [tilespmem:s11], [sflag:$0x2], $0xC800, s10, s9, $0x38;
	[tilespmem:$0x13100] =	vst v63  }
0xa6: {  	_ = 	snop  }
0xa7: {  	[hbm4b:s2+s9] =	stream.strided.scatter [tilespmem:s11], [sflag:$0x2], $0xC800, s10, s9, $0x38;
	[tilespmem:$0x13100] =	vst v63  }
0xa8: {  	_ = 	snop  }
0xa9: {  	[hbm4b:s5+s9] =	stream.strided.scatter [tilespmem:s11], [sflag:$0x2], $0xC800, s10, s9, $0x38;
	[tilespmem:$0x13100] =	vst v63  }
0xaa: {  	_ =	swait.ge [sflag:s12], $0xC800  }
0xab: {  	[sflag:s12] =	ssyncset.done $0x0  }
0xac: {  	[sflag:s12] =	ssyncadd.s32 $0xFFFF3800  }
0xad: {  	_ =	swait.ge [sflag:s12], $0xC800  }
0xae: {  	[sflag:s12] =	ssyncset.done $0x0  }
0xaf: {  	[sflag:s12] =	ssyncadd.s32 $0xFFFF3800  }
0xb0: {  	_ =	swait.ge [sflag:s12], $0xC800  }
0xb1: {  	[sflag:s12] =	ssyncset.done $0x0  }
0xb2: {  	[sflag:s12] =	ssyncadd.s32 $0xFFFF3800  }
0xb3: {  	_ =	swait.ge [sflag:s12], $0xC800  }
0xb4: {  	[sflag:s12] =	ssyncset.done $0x0  }
0xb5: {  	[sflag:s12] =	ssyncadd.s32 $0xFFFF3800  }
0xb6: {  	_ =	swait.ge [sflag:s12], $0xC800  }
0xb7: {  	[sflag:s12] =	ssyncset.done $0x0  }
0xb8: {  	[sflag:s12] =	ssyncadd.s32 $0xFFFF3800  }
0xb9: {  	_ =	swait.ge [sflag:s12], $0xC800  }
0xba: {  	[sflag:s12] =	ssyncset.done $0x0  }
0xbb: {  	[sflag:s12] =	ssyncadd.s32 $0xFFFF3800  }
0xbc: {  	_ =	swait.ge [sflag:s12], $0xC800  }
0xbd: {  	[sflag:s12] =	ssyncset.done $0x0  }
0xbe: {  	[sflag:s12] =	ssyncadd.s32 $0xFFFF3800  }
0xbf: {  	_ =	swait.ge [sflag:s12], $0xC800  }
0xc0: {  	[sflag:s12] =	ssyncset.done $0x0  }
0xc1: {  	[sflag:s12] =	ssyncadd.s32 $0xFFFF3800  }
0xc2: {  	_ =	swait.ge [sflag:s12], $0xC800  }
0xc3: {  	[sflag:s12] =	ssyncset.done $0x0  }
0xc4: {  	[sflag:s12] =	ssyncadd.s32 $0xFFFF3800  }
0xc5: {  	_ =	swait.ge [sflag:s12], $0xC800  }
0xc6: {  	[sflag:s12] =	ssyncset.done $0x0  }
0xc7: {  	[sflag:s12] =	ssyncadd.s32 $0xFFFF3800  }
0xc8: {  	_ =	swait.ge [sflag:s12], $0xC800  }
0xc9: {  	[sflag:s12] =	ssyncset.done $0x0  }
0xca: {  	[sflag:s12] =	ssyncadd.s32 $0xFFFF3800  }
0xcb: {  	_ =	swait.ge [sflag:s12], $0xC800  }
0xcc: {  	[sflag:s12] =	ssyncset.done $0x0  }
0xcd: {  	[sflag:s12] =	ssyncadd.s32 $0xFFFF3800  }
0xce: {  	_ =	swait.ge [sflag:s12], $0xC800  }
0xcf: {  	[sflag:s12] =	ssyncset.done $0x0  }
0xd0: {  	[sflag:s12] =	ssyncadd.s32 $0xFFFF3800  }
0xd1: {  	_ =	swait.ge [sflag:s12], $0xC800  }
0xd2: {  	[sflag:s12] =	ssyncset.done $0x0  }
0xd3: {  	[sflag:s12] =	ssyncadd.s32 $0xFFFF3800  }
0xd4: {  	_ =	swait.ge [sflag:s12], $0xC800  }
0xd5: {  	[sflag:s12] =	ssyncset.done $0x0  }
0xd6: {  	[sflag:s12] =	ssyncadd.s32 $0xFFFF3800  }
0xd7: {  	_ =	swait.ge [sflag:s12], $0xC800  }
0xd8: {  	[sflag:s12] =	ssyncset.done $0x0  }
0xd9: {  	[sflag:s12] =	ssyncadd.s32 $0xFFFF3800  }
0xda: {  	_ =	swait.ge [sflag:s12], $0xC800  }
0xdb: {  	[sflag:s12] =	ssyncset.done $0x0  }
0xdc: {  	[sflag:s12] =	ssyncadd.s32 $0xFFFF3800  }
0xdd: {  	_ =	swait.ge [sflag:s12], $0xC800  }
0xde: {  	[sflag:s12] =	ssyncset.done $0x0  }
0xdf: {  	[sflag:s12] =	ssyncadd.s32 $0xFFFF3800  }
0xe0: {  	_ =	swait.ge [sflag:s12], $0xC800  }
0xe1: {  	[sflag:s12] =	ssyncset.done $0x0  }
0xe2: {  	[sflag:s12] =	ssyncadd.s32 $0xFFFF3800  }
0xe3: {  	_ =	swait.ge [sflag:s12], $0xC800  }
0xe4: {  	[sflag:s12] =	ssyncset.done $0x0  }
0xe5: {  	[sflag:s12] =	ssyncadd.s32 $0xFFFF3800  }
0xe6: {  	_ =	swait.ge [sflag:s12], $0xC800  }
0xe7: {  	[sflag:s12] =	ssyncset.done $0x0  }
0xe8: {  	[sflag:s12] =	ssyncadd.s32 $0xFFFF3800  }
0xe9: {  	_ =	swait.ge [sflag:s12], $0xC800  }
0xea: {  	[sflag:s12] =	ssyncset.done $0x0  }
0xeb: {  	[sflag:s12] =	ssyncadd.s32 $0xFFFF3800  }
0xec: {  	_ =	swait.ge [sflag:s12], $0xC800  }
0xed: {  	[sflag:s12] =	ssyncset.done $0x0  }
0xee: {  	[sflag:s12] =	ssyncadd.s32 $0xFFFF3800  }
0xef: {  	_ =	swait.ge [sflag:s12], $0xC800  }
0xf0: {  	[sflag:s12] =	ssyncset.done $0x0  }
0xf1: {  	[sflag:s12] =	ssyncadd.s32 $0xFFFF3800  }
0xf2: {  	_ =	swait.ge [sflag:s12], $0xC800  }
0xf3: {  	[sflag:s12] =	ssyncset.done $0x0  }
0xf4: {  	[sflag:s12] =	ssyncadd.s32 $0xFFFF3800  }
0xf5: {  	_ =	swait.ge [sflag:s12], $0xC800  }
0xf6: {  	[sflag:s12] =	ssyncset.done $0x0  }
0xf7: {  	[sflag:s12] =	ssyncadd.s32 $0xFFFF3800  }
0xf8: {  	_ =	swait.ge [sflag:s12], $0xC800  }
0xf9: {  	[sflag:s12] =	ssyncset.done $0x0  }
0xfa: {  	[sflag:s12] =	ssyncadd.s32 $0xFFFF3800  }
0xfb: {  	_ =	swait.ge [sflag:s12], $0xC800  }
0xfc: {  	[sflag:s12] =	ssyncset.done $0x0  }
0xfd: {  	[sflag:s12] =	ssyncadd.s32 $0xFFFF3800  }
0xfe: {  	_ =	swait.ge [sflag:s12], $0xC800  }
0xff: {  	[sflag:s12] =	ssyncset.done $0x0  }
0x100: {  	[sflag:s12] =	ssyncadd.s32 $0xFFFF3800  }
0x101: {  	_ =	swait.ge [sflag:s12], $0xC800  }
0x102: {  	[sflag:s12] =	ssyncset.done $0x0  }
0x103: {  	s13 =	sadd.s32 $0x1, s13;
	[sflag:s12] =	ssyncadd.s32 $0xFFFF3800  }
0x104: {  	p0 =	sne.s32 s13, s6;
	_ =	swait.ge [sflag:s12], $0xC800  }
.Ltmp1:
0x105: {  	[sflag:s12] =	ssyncset.done $0x0;
	(pc) =	sbr.rel @p0 .LBB2_1-.Ltmp1, $4  }
0x106: {  	[sflag:s12] =	ssyncadd.s32 $0xFFFF3800  }
0x107: {  	_ =	swait.ge [sflag:s12], $0xC800  }
0x108: {  	[sflag:s12] =	ssyncset.done $0x0  }
0x109: {  	[sflag:s12] =	ssyncadd.s32 $0xFFFF3800  }
0x10a: {  	_ =	sfence.sel $0x180000  }
0x10b: {  	[bflag:$0x0] =	sbarrier.arrive $0xFFFF  }
0x10c: {  	_ =	strace $0x90000047  }
0x10d: {  	s0 =	stileid.u32;
	[bflag:$0x2] =	sbarrier.arrive $0xFFFF  }
0x10e: {  	p0 =	sne.s32 s0, $0x0;
	s0 =	rddreg [dreg:$0x2]  }
0x10f: {  	s0 =	sadd.s32 @!p0 $0x100000, s0  }
0x110: {  	[sflag:s0] =	ssyncadd.tile.s32 @!p0 $0x1;
	_ =	shalt  }
.Lfunc_end2:
_tile_overlayer_lowered:
.L_overlay_start_2:
0x111: {  	(tag) =	ssettag $0x2  }
0x112: {  	s0 =	rddreg [dreg:$0x0];
	s2 =	stileid.u32  }
0x113: {  	s1 =	rddreg [dreg:$0x1];
	p0 =	sne.s32 s2, $0x0  }
0x114: {  	s3 =	rddreg [dreg:$0x2];
	[bflag:$0x3] =	sbarrier.arrive $0xFFFF;
	s2 =	simm.s32 @!p0 $0x1C03  }
0x115: {  	[timem:s3], [sflag:s2] =	dma.local @!p0 [hbm:s0], s1  }
0x116: {  	s0 =	simm.s32 @!p0 $0x3  }
0x117: {  	_ =	swait.ge @!p0 [sflag:s0], s1  }
0x118: {  	s1 =	ssub.s32 @!p0 $0x0, s1;
	[sflag:s0] =	ssyncset.done @!p0 $0x0  }
0x119: {  	[sflag:s0] =	ssyncadd.s32 @!p0 s1  }
0x11a: {  	[bflag:$0x3] =	sbarrier.arrive $0xFFFF  }
0x11b: {  	_ =	shalt  }

</sc_bundles>
